<compile_context>
chip_gen: v7x
topology: tpu7x:2x2x1
jax: 0.10.2.dev20260603
libtpu: 0.0.44.dev20260713+nightly
codegen_flags: <defaults>
</compile_context>

<pallas_src>
import jax
import jax.numpy as jnp
from jax.experimental import pallas as pl
from jax.experimental.pallas import tpu as pltpu
from jax.experimental.pallas import tpu_sc as plsc

MARGIN = 10.0
KTOP = 2
NUM_CLASSES = 64
IBLK = 1024
JBLK = 1024
RATIO = JBLK // IBLK
WCH = 128
NCH = JBLK // WCH
NEG = -1e30


SC_WORKERS = 32
SC_LANES = 16


def _sc_centers_partials(y, target):
    n, d = y.shape
    rows = n // SC_WORKERS
    mesh = plsc.VectorSubcoreMesh(core_axis_name="c", subcore_axis_name="s")

    @pl.kernel(
        out_type=jax.ShapeDtypeStruct((SC_WORKERS, NUM_CLASSES, d + SC_LANES),
                                      jnp.float32),
        mesh=mesh,
        scratch_types=[
            pltpu.VMEM((32, d), jnp.float32),
            pltpu.VMEM((rows,), jnp.int32),
            pltpu.VMEM((NUM_CLASSES, d + SC_LANES), jnp.float32),
            pltpu.SemaphoreType.DMA,
        ],
    )
    def sc_kernel(y_hbm, t_hbm, out_hbm, row_ref, tseg_ref, acc_ref, sem):
        core = jax.lax.axis_index("c")
        sub = jax.lax.axis_index("s")
        wid = sub * 2 + core
        base = wid * rows
        pltpu.async_copy(t_hbm.at[pl.ds(base, rows)], tseg_ref, sem).wait()

        @pl.loop(0, NUM_CLASSES)
        def _(cc):
            @pl.loop(0, d + SC_LANES, step=SC_LANES)
            def _(k):
                acc_ref[cc, pl.ds(k, SC_LANES)] = jnp.zeros(
                    (SC_LANES,), jnp.float32)

        @pl.loop(0, rows, step=32)
        def _(r0):
            pltpu.async_copy(y_hbm.at[pl.ds(base + r0, 32), :], row_ref,
                             sem).wait()

            @pl.loop(0, 32)
            def _(r):
                t = tseg_ref[pl.ds(r0 + r, 1)][0]

                @pl.loop(0, d, step=SC_LANES)
                def _(k):
                    acc_ref[t, pl.ds(k, SC_LANES)] = (
                        acc_ref[t, pl.ds(k, SC_LANES)]
                        + row_ref[r, pl.ds(k, SC_LANES)])
                acc_ref[t, pl.ds(d, SC_LANES)] = (
                    acc_ref[t, pl.ds(d, SC_LANES)]
                    + jnp.full((SC_LANES,), 1.0, jnp.float32))

        pltpu.async_copy(acc_ref, out_hbm.at[wid], sem).wait()

    return sc_kernel(y, target)


def _row_top2(w):
    m1 = jnp.max(w, axis=1, keepdims=True)
    eq = w == m1
    cnt = jnp.sum(jnp.where(eq, 1.0, 0.0), axis=1, keepdims=True)
    m2 = jnp.max(jnp.where(eq, NEG, w), axis=1, keepdims=True)
    return m1, jnp.where(cnt > 1.0, m1, m2)


def _loss_kernel(tr_ref, tc3_ref, ybf_ref, yt3_ref, p3_ref, out_ref,
                 rm1_ref, rm2_ref, acc1_ref, acc2_ref):
    i = pl.program_id(0)
    j = pl.program_id(1)
    n = ybf_ref.shape[0]
    c = NUM_CLASSES
    ni = n // IBLK
    nj = n // JBLK

    @pl.when(j >= i // RATIO)
    def _active():
        ybn = ybf_ref[pl.ds(i * IBLK, IBLK), :] * jnp.bfloat16(-2.0)
        ytb = yt3_ref[j]
        g = jax.lax.dot_general(ybn, ytb, (((1,), (0,)), ((), ())),
                                preferred_element_type=jnp.float32)
        ytf = ytb.astype(jnp.float32)
        ra = jnp.sum(ytf * ytf, axis=0, keepdims=True)
        t_rows = tr_ref[pl.ds(i * IBLK, IBLK), :]
        tcb = tc3_ref[j]
        colg = j * JBLK + jax.lax.broadcasted_iota(jnp.int32, (1, JBLK), 1)
        rowg = jnp.where(j == i // RATIO,
                         i * IBLK + jax.lax.broadcasted_iota(
                             jnp.int32, (IBLK, 1), 0),
                         -1)
        pairs = []
        for c0 in range(0, NCH, 2):
            w2 = []
            for c in (c0, c0 + 1):
                lo = c * WCH
                uc = g[:, lo:lo + WCH] + ra[:, lo:lo + WCH]
                mc = (t_rows == tcb[:, lo:lo + WCH]) & \
                     (colg[:, lo:lo + WCH] > rowg)
                w2.append(jnp.where(mc, uc, NEG))
            pairs.append((jnp.maximum(w2[0], w2[1]),
                          jnp.minimum(w2[0], w2[1])))
        while len(pairs) > 1:
            nxt = []
            for k in range(0, len(pairs), 2):
                (a1, a2), (b1, b2) = pairs[k], pairs[k + 1]
                nxt.append((jnp.maximum(a1, b1),
                            jnp.maximum(jnp.minimum(a1, b1),
                                        jnp.maximum(a2, b2))))
            pairs = nxt
        t1, t2 = pairs[0]

        @pl.when(j == i // RATIO)
        def _init():
            acc1_ref[...] = t1
            acc2_ref[...] = t2

        @pl.when(j > i // RATIO)
        def _merge():
            a1 = acc1_ref[...]
            a2 = acc2_ref[...]
            acc1_ref[...] = jnp.maximum(a1, t1)
            acc2_ref[...] = jnp.maximum(jnp.minimum(a1, t1),
                                        jnp.maximum(a2, t2))

    @pl.when(j == nj - 1)
    def _rowfinal():
        a = acc1_ref[...]
        m1, m2a = _row_top2(a)
        mb = jnp.max(acc2_ref[...], axis=1, keepdims=True)
        rm1_ref[pl.ds(i * IBLK, IBLK), :] = m1
        rm2_ref[pl.ds(i * IBLK, IBLK), :] = jnp.maximum(m2a, mb)

    @pl.when((i == ni - 1) & (j == nj - 1))
    def _final():
        ybf_all = ybf_ref[...].astype(jnp.float32)
        rb_all = jnp.sum(ybf_all * ybf_all, axis=1, keepdims=True)
        s1r = jnp.maximum(rm1_ref[...] + rb_all, 0.0)
        s2r = jnp.maximum(rm2_ref[...] + rb_all, 0.0)

        t_all = tr_ref[...]
        cls = jax.lax.broadcasted_iota(jnp.int32, (n, c), 1)
        oh = t_all == cls
        ohf = jnp.where(oh, 1.0, 0.0)

        w1 = jnp.where(oh, s1r, NEG)
        a1 = jnp.max(w1, axis=0, keepdims=True)
        eq1 = w1 == a1
        cnt1 = jnp.sum(jnp.where(eq1, 1.0, 0.0), axis=0, keepdims=True)
        sm1 = jnp.max(jnp.where(eq1, NEG, w1), axis=0, keepdims=True)
        sm1 = jnp.where(cnt1 > 1.0, a1, sm1)
        b1 = jnp.max(jnp.where(oh, s2r, NEG), axis=0, keepdims=True)
        top1 = jnp.maximum(a1, 0.0)
        top2 = jnp.maximum(jnp.maximum(sm1, b1), 0.0)

        cnt_row = jnp.sum(ohf, axis=0, keepdims=True)
        has_c = cnt_row > 0.0
        term = float(KTOP) / (jnp.sqrt(top1) + jnp.sqrt(top2))
        l_intra = jnp.sum(jnp.where(has_c, term, 0.0))

        d = ybf_ref.shape[1]
        part = jnp.sum(p3_ref[...], axis=0)
        cnt_col = part[:, d:d + 1]
        cen = part[:, 0:d] / cnt_col
        g2 = jax.lax.dot_general(cen, cen, (((1,), (1,)), ((), ())),
                                 preferred_element_type=jnp.float32)
        ci = jax.lax.broadcasted_iota(jnp.int32, (c, c), 0)
        cj = jax.lax.broadcasted_iota(jnp.int32, (c, c), 1)
        eyem = ci == cj
        diag_r = jnp.sum(jnp.where(eyem, g2, 0.0), axis=1, keepdims=True)
        diag_c = jnp.sum(jnp.where(eyem, g2, 0.0), axis=0, keepdims=True)
        csq = diag_r + diag_c - 2.0 * g2
        has_r = cnt_col > 0.0
        m = (cj > ci) & has_r & has_c
        dd = jnp.where(m, jnp.sqrt(jnp.maximum(csq, 0.0)), jnp.inf)
        dd = jnp.where(dd > 0.0, dd, jnp.inf)
        dmin = jnp.min(dd)
        l_inter = jnp.maximum(MARGIN - dmin, 0.0)
        out_ref[...] = jnp.reshape(l_intra + l_inter, (1, 1))


def kernel(y, target):
    n, d = y.shape
    nj = n // JBLK
    tr = target.reshape(n, 1)
    tc3 = target.reshape(nj, 1, JBLK)
    ybf = y.astype(jnp.bfloat16)
    yt3 = ybf.T.reshape(d, nj, JBLK).transpose(1, 0, 2)
    partials = _sc_centers_partials(y, target)
    out = pl.pallas_call(
        _loss_kernel,
        grid=(n // IBLK, nj),
        in_specs=[
            pl.BlockSpec((n, 1), lambda i, j: (0, 0)),
            pl.BlockSpec((nj, 1, JBLK), lambda i, j: (0, 0, 0)),
            pl.BlockSpec((n, d), lambda i, j: (0, 0)),
            pl.BlockSpec((nj, d, JBLK), lambda i, j: (0, 0, 0)),
            pl.BlockSpec((SC_WORKERS, NUM_CLASSES, d + SC_LANES),
                         lambda i, j: (0, 0, 0)),
        ],
        out_specs=pl.BlockSpec((1, 1), lambda i, j: (0, 0)),
        out_shape=jax.ShapeDtypeStruct((1, 1), jnp.float32),
        scratch_shapes=[
            pltpu.VMEM((n, 1), jnp.float32),
            pltpu.VMEM((n, 1), jnp.float32),
            pltpu.VMEM((IBLK, WCH), jnp.float32),
            pltpu.VMEM((IBLK, WCH), jnp.float32),
        ],
    )(tr, tc3, ybf, yt3, partials)
    return out.reshape(1)

# --- scband reference (transcript-rebuilt; emitter-appended) ---
"""Pipeline reference for scband-loss-84215718740601 (READ-ONLY COPY).

The authoritative reference and input builder live on the scoring server;
editing this copy changes nothing except your own understanding.
"""

import jax, jax.numpy as jnp
import numpy as np

MARGIN = 10.0
K = 2
ALPHA = 1.0
BETA = 1.0


def _pairwise_top_k(f, k):
    # faithful to compute_top_k: dists matrix with upper triangle filled,
    # zeros elsewhere; flatten, sort ascending, take last k (largest k dists,
    # possibly padded by zeros when there are fewer than k pairs)
    n = f.shape[0]
    diff = f[:, None, :] - f[None, :, :]
    sq = jnp.sum(diff * diff, axis=-1)
    mask = jnp.triu(jnp.ones((n, n), dtype=bool), k=1)
    sq_safe = jnp.where(mask, sq, 1.0)
    dists = jnp.where(mask, jnp.sqrt(sq_safe), 0.0)
    flat = jnp.sort(dists.reshape(-1))
    return flat[-k:]


def _min_center_dist(centers, valid=None):
    # faithful to compute_min_dist: smallest strictly-positive pairwise
    # distance among class centers (upper triangle only)
    n = centers.shape[0]
    diff = centers[:, None, :] - centers[None, :, :]
    sq = jnp.sum(diff * diff, axis=-1)
    mask = jnp.triu(jnp.ones((n, n), dtype=bool), k=1)
    if valid is not None:
        mask = mask & valid[:, None] & valid[None, :]
    sq_safe = jnp.where(mask, sq, 1.0)
    dists = jnp.where(mask, jnp.sqrt(sq_safe), jnp.inf)
    dists = jnp.where(dists > 0, dists, jnp.inf)
    return jnp.min(dists)


def setup_inputs(seed: int = 0) -> dict:
    key = jax.random.key(seed)
    k1, k2 = jax.random.split(key)
    y = jax.random.normal(k1, (4096, 128), dtype=jnp.float32)
    target = jax.random.randint(k2, (4096,), 0, 64, dtype=jnp.int32)
    return {"y": y, "target": target}


def reference(y, target):
    n = y.shape[0]
    num_classes = 64  # static upper bound of the label space from setup_inputs
    sq = jax.lax.map(
        lambda yi: jnp.sum((yi[None, :] - y) * (yi[None, :] - y), axis=-1), y
    )
    triu = jnp.triu(jnp.ones((n, n), dtype=bool), k=1)
    l_intra = jnp.asarray(0.0, dtype=y.dtype)
    centers = []
    present = []
    for l in range(num_classes):
        m = target == l
        cnt = jnp.sum(m.astype(y.dtype))
        has = cnt > 0
        center = jnp.sum(jnp.where(m[:, None], y, 0.0), axis=0) / cnt
        pair = m[:, None] & m[None, :] & triu
        sq_safe = jnp.where(pair, sq, 1.0)
        dists = jnp.where(pair, jnp.sqrt(sq_safe), 0.0)
        topk, _ = jax.lax.top_k(dists.reshape(-1), K)
        term = K / jnp.sum(topk)
        l_intra = l_intra + jnp.where(has, term, jnp.asarray(0.0, dtype=y.dtype))
        centers.append(center)
        present.append(has)
    centers = jnp.stack(centers, axis=0)
    present = jnp.stack(present)
    d_center = _min_center_dist(centers, present)
    l_inter = jnp.maximum(MARGIN - d_center, 0.0)
    loss = l_intra * ALPHA + l_inter * BETA
    return jnp.reshape(loss, (1,))

if __name__ == "__main__":
    import jax
    _d = setup_inputs()
    print(jax.jit(kernel)(*tuple(_d.values())))

</pallas_src>

<mosaic_0001>
#map = affine_map<(d0, d1) -> (0, 0)>
#map1 = affine_map<(d0, d1) -> (0)>
#map2 = affine_map<(d0, d1) -> (0, 0, 0)>
module attributes {stable_mosaic.version = 14 : i64} {
  func.func @sc_kernel(%arg0: i32, %arg1: i32, %arg2: memref<4096x128xf32, #tpu.memory_space<hbm>>, %arg3: memref<4096xi32, #tpu.memory_space<hbm>>, %arg4: memref<32x64x144xf32, #tpu.memory_space<hbm>>, %arg5: memref<32x128xf32, #tpu.memory_space<vmem>>, %arg6: memref<128xi32, #tpu.memory_space<vmem>>, %arg7: memref<64x144xf32, #tpu.memory_space<vmem>>, %arg8: memref<!tpu.dma_semaphore, #tpu.memory_space<semaphore_mem>>) attributes {dimension_semantics = [#tpu.dimension_semantics<core_parallel>, #tpu.dimension_semantics<subcore_parallel>], iteration_bounds = array<i64: 2, 16>, scalar_prefetch = 0 : i64, scratch_operands = 4 : i64, tpu.core_type = #tpu.core_type<sc_vector_subcore>, window_params = [{transform_indices = #map}, {transform_indices = #map1}, {transform_indices = #map2}]} {
    %mul3A = arith.constant 2 : i32
    %mul3A_0 = arith.muli %arg1, %mul3A : i32
    %add3A = arith.addi %mul3A_0, %arg0 : i32
    %mul3A_1 = arith.constant 128 : i32
    %mul3A_2 = arith.muli %add3A, %mul3A_1 : i32
    %dma_start3A = tpu.memref_slice %arg3[%mul3A_2] : memref<4096xi32, #tpu.memory_space<hbm>> -> memref<128xi32, #tpu.memory_space<hbm>>
    %dma_start3A_3 = tpu.memref_slice %arg3[%mul3A_2] : memref<4096xi32, #tpu.memory_space<hbm>> -> memref<128xi32, #tpu.memory_space<hbm>>
    tpu.enqueue_dma source(%dma_start3A_3 : memref<128xi32, #tpu.memory_space<hbm>>) target(%arg6 : memref<128xi32, #tpu.memory_space<vmem>>) target_semaphore(%arg8 : memref<!tpu.dma_semaphore, #tpu.memory_space<semaphore_mem>>)
    %dma_wait3A = tpu.memref_slice %arg3[%mul3A_2] : memref<4096xi32, #tpu.memory_space<hbm>> -> memref<128xi32, #tpu.memory_space<hbm>>
    %dma_wait3A_4 = tpu.memref_slice %arg3[%mul3A_2] : memref<4096xi32, #tpu.memory_space<hbm>> -> memref<128xi32, #tpu.memory_space<hbm>>
    tpu.wait_dma2 semaphore(%arg8 : memref<!tpu.dma_semaphore, #tpu.memory_space<semaphore_mem>>) src(%dma_wait3A_4 : memref<128xi32, #tpu.memory_space<hbm>>) dst(%arg6 : memref<128xi32, #tpu.memory_space<vmem>>)
    %scan3A = arith.constant 0 : i32
    %scan3A_5 = arith.constant 64 : i32
    %scan3A_6 = arith.addi %scan3A, %scan3A_5 : i32
    %scan3A_7 = arith.constant 1 : i32
    scf.for %scan3A_30 = %scan3A to %scan3A_6 step %scan3A_7  : i32 {
      %mul3A_31 = arith.constant 1 : i32
      %mul3A_32 = arith.muli %scan3A_30, %mul3A_31 : i32
      %add3A_33 = arith.constant 0 : i32
      %add3A_34 = arith.addi %add3A_33, %mul3A_32 : i32
      %scan3A_35 = arith.constant 0 : i32
      %scan3A_36 = arith.constant 9 : i32
      %scan3A_37 = arith.addi %scan3A_35, %scan3A_36 : i32
      %scan3A_38 = arith.constant 1 : i32
      scf.for %scan3A_40 = %scan3A_35 to %scan3A_37 step %scan3A_38  : i32 {
        %mul3A_41 = arith.constant 16 : i32
        %mul3A_42 = arith.muli %scan3A_40, %mul3A_41 : i32
        %add3A_43 = arith.constant 0 : i32
        %add3A_44 = arith.addi %add3A_43, %mul3A_42 : i32
        %broadcast_in_dim3A = arith.constant 0.000000e+00 : f32
        %broadcast_in_dim3A_45 = vector.broadcast %broadcast_in_dim3A : f32 to vector<16xf32>
        %swap3A = arith.index_cast %add3A_34 : i32 to index
        %swap3A_46 = arith.index_cast %add3A_44 : i32 to index
        %swap3A_47 = tpu.vector_load %arg7[%swap3A, %swap3A_46] {strides = array<i32>} : memref<64x144xf32, #tpu.memory_space<vmem>>, vector<1x16xf32>,
        %swap3A_48 = vector.shape_cast %swap3A_47 : vector<1x16xf32> to vector<16xf32>
        %swap3A_49 = vector.shape_cast %broadcast_in_dim3A_45 : vector<16xf32> to vector<1x16xf32>
        tpu.vector_store %arg7[%swap3A, %swap3A_46], %swap3A_49 {strides = array<i32>} : memref<64x144xf32, #tpu.memory_space<vmem>>, vector<1x16xf32>,
      }
      %scan3A_39 = arith.constant 9 : i32
    }
    %scan3A_8 = arith.constant 64 : i32
    %scan3A_9 = arith.constant 0 : i32
    %scan3A_10 = arith.constant 4 : i32
    %scan3A_11 = arith.addi %scan3A_9, %scan3A_10 : i32
    %scan3A_12 = arith.constant 1 : i32
    scf.for %scan3A_30 = %scan3A_9 to %scan3A_11 step %scan3A_12  : i32 {
      %mul3A_31 = arith.constant 32 : i32
      %mul3A_32 = arith.muli %scan3A_30, %mul3A_31 : i32
      %add3A_33 = arith.constant 0 : i32
      %add3A_34 = arith.addi %add3A_33, %mul3A_32 : i32
      %add3A_35 = arith.addi %mul3A_2, %add3A_34 : i32
      %dma_start3A_36 = arith.constant 0 : i32
      %dma_start3A_37 = tpu.memref_slice %arg2[%add3A_35, %dma_start3A_36] : memref<4096x128xf32, #tpu.memory_space<hbm>> -> memref<32x128xf32, #tpu.memory_space<hbm>>
      %dma_start3A_38 = arith.constant 0 : i32
      %dma_start3A_39 = tpu.memref_slice %arg2[%add3A_35, %dma_start3A_38] : memref<4096x128xf32, #tpu.memory_space<hbm>> -> memref<32x128xf32, #tpu.memory_space<hbm>>
      tpu.enqueue_dma source(%dma_start3A_39 : memref<32x128xf32, #tpu.memory_space<hbm>>) target(%arg5 : memref<32x128xf32, #tpu.memory_space<vmem>>) target_semaphore(%arg8 : memref<!tpu.dma_semaphore, #tpu.memory_space<semaphore_mem>>)
      %dma_wait3A_40 = arith.constant 0 : i32
      %dma_wait3A_41 = tpu.memref_slice %arg2[%add3A_35, %dma_wait3A_40] : memref<4096x128xf32, #tpu.memory_space<hbm>> -> memref<32x128xf32, #tpu.memory_space<hbm>>
      %dma_wait3A_42 = arith.constant 0 : i32
      %dma_wait3A_43 = tpu.memref_slice %arg2[%add3A_35, %dma_wait3A_42] : memref<4096x128xf32, #tpu.memory_space<hbm>> -> memref<32x128xf32, #tpu.memory_space<hbm>>
      tpu.wait_dma2 semaphore(%arg8 : memref<!tpu.dma_semaphore, #tpu.memory_space<semaphore_mem>>) src(%dma_wait3A_43 : memref<32x128xf32, #tpu.memory_space<hbm>>) dst(%arg5 : memref<32x128xf32, #tpu.memory_space<vmem>>)
      %scan3A_44 = arith.constant 0 : i32
      %scan3A_45 = arith.constant 32 : i32
      %scan3A_46 = arith.addi %scan3A_44, %scan3A_45 : i32
      %scan3A_47 = arith.constant 1 : i32
      scf.for %scan3A_49 = %scan3A_44 to %scan3A_46 step %scan3A_47  : i32 {
        %mul3A_50 = arith.constant 1 : i32
        %mul3A_51 = arith.muli %scan3A_49, %mul3A_50 : i32
        %add3A_52 = arith.constant 0 : i32
        %add3A_53 = arith.addi %add3A_52, %mul3A_51 : i32
        %add3A_54 = arith.addi %add3A_34, %add3A_53 : i32
        %get3A = arith.index_cast %add3A_54 : i32 to index
        %get3A_55 = tpu.vector_load %arg6[%get3A] {strides = array<i32>} : memref<128xi32, #tpu.memory_space<vmem>>, vector<1xi32>,
        %get3A_56 = vector.shape_cast %get3A_55 : vector<1xi32> to vector<1xi32>
        %squeeze3A = vector.extract %get3A_56[0] : i32 from vector<1xi32>
        %scan3A_57 = arith.constant 0 : i32
        %scan3A_58 = arith.constant 8 : i32
        %scan3A_59 = arith.addi %scan3A_57, %scan3A_58 : i32
        %scan3A_60 = arith.constant 1 : i32
        scf.for %scan3A_72 = %scan3A_57 to %scan3A_59 step %scan3A_60  : i32 {
          %mul3A_73 = arith.constant 16 : i32
          %mul3A_74 = arith.muli %scan3A_72, %mul3A_73 : i32
          %add3A_75 = arith.constant 0 : i32
          %add3A_76 = arith.addi %add3A_75, %mul3A_74 : i32
          %get3A_77 = arith.index_cast %squeeze3A : i32 to index
          %get3A_78 = arith.index_cast %add3A_76 : i32 to index
          %get3A_79 = tpu.vector_load %arg7[%get3A_77, %get3A_78] {strides = array<i32>} : memref<64x144xf32, #tpu.memory_space<vmem>>, vector<1x16xf32>,
          %get3A_80 = vector.shape_cast %get3A_79 : vector<1x16xf32> to vector<16xf32>
          %get3A_81 = arith.index_cast %add3A_53 : i32 to index
          %get3A_82 = arith.index_cast %add3A_76 : i32 to index
          %get3A_83 = tpu.vector_load %arg5[%get3A_81, %get3A_82] {strides = array<i32>} : memref<32x128xf32, #tpu.memory_space<vmem>>, vector<1x16xf32>,
          %get3A_84 = vector.shape_cast %get3A_83 : vector<1x16xf32> to vector<16xf32>
          %add3A_85 = arith.addf %get3A_80, %get3A_84 : vector<16xf32>
          %swap3A_86 = arith.index_cast %squeeze3A : i32 to index
          %swap3A_87 = arith.index_cast %add3A_76 : i32 to index
          %swap3A_88 = tpu.vector_load %arg7[%swap3A_86, %swap3A_87] {strides = array<i32>} : memref<64x144xf32, #tpu.memory_space<vmem>>, vector<1x16xf32>,
          %swap3A_89 = vector.shape_cast %swap3A_88 : vector<1x16xf32> to vector<16xf32>
          %swap3A_90 = vector.shape_cast %add3A_85 : vector<16xf32> to vector<1x16xf32>
          tpu.vector_store %arg7[%swap3A_86, %swap3A_87], %swap3A_90 {strides = array<i32>} : memref<64x144xf32, #tpu.memory_space<vmem>>, vector<1x16xf32>,
        }
        %scan3A_61 = arith.constant 8 : i32
        %get3A_62 = arith.index_cast %squeeze3A : i32 to index
        %get3A_63 = arith.constant 128 : index
        %get3A_64 = tpu.vector_load %arg7[%get3A_62, %get3A_63] {strides = array<i32>} : memref<64x144xf32, #tpu.memory_space<vmem>>, vector<1x16xf32>,
        %get3A_65 = vector.shape_cast %get3A_64 : vector<1x16xf32> to vector<16xf32>
        %broadcast_in_dim3A = arith.constant 1.000000e+00 : f32
        %broadcast_in_dim3A_66 = vector.broadcast %broadcast_in_dim3A : f32 to vector<16xf32>
        %add3A_67 = arith.addf %get3A_65, %broadcast_in_dim3A_66 : vector<16xf32>
        %swap3A = arith.index_cast %squeeze3A : i32 to index
        %swap3A_68 = arith.constant 128 : index
        %swap3A_69 = tpu.vector_load %arg7[%swap3A, %swap3A_68] {strides = array<i32>} : memref<64x144xf32, #tpu.memory_space<vmem>>, vector<1x16xf32>,
        %swap3A_70 = vector.shape_cast %swap3A_69 : vector<1x16xf32> to vector<16xf32>
        %swap3A_71 = vector.shape_cast %add3A_67 : vector<16xf32> to vector<1x16xf32>
        tpu.vector_store %arg7[%swap3A, %swap3A_68], %swap3A_71 {strides = array<i32>} : memref<64x144xf32, #tpu.memory_space<vmem>>, vector<1x16xf32>,
      }
      %scan3A_48 = arith.constant 32 : i32
    }
    %scan3A_13 = arith.constant 4 : i32
    %dma_start3A_14 = arith.constant 0 : i32
    %dma_start3A_15 = arith.constant 0 : i32
    %dma_start3A_16 = tpu.memref_slice %arg4[%add3A, %dma_start3A_14, %dma_start3A_15] : memref<32x64x144xf32, #tpu.memory_space<hbm>> -> memref<1x64x144xf32, #tpu.memory_space<hbm>>
    %dma_start3A_17 = tpu.memref_squeeze %dma_start3A_16 : memref<1x64x144xf32, #tpu.memory_space<hbm>> -> memref<64x144xf32, #tpu.memory_space<hbm>>
    %dma_start3A_18 = arith.constant 0 : i32
    %dma_start3A_19 = arith.constant 0 : i32
    %dma_start3A_20 = tpu.memref_slice %arg4[%add3A, %dma_start3A_18, %dma_start3A_19] : memref<32x64x144xf32, #tpu.memory_space<hbm>> -> memref<1x64x144xf32, #tpu.memory_space<hbm>>
    %dma_start3A_21 = tpu.memref_squeeze %dma_start3A_20 : memref<1x64x144xf32, #tpu.memory_space<hbm>> -> memref<64x144xf32, #tpu.memory_space<hbm>>
    tpu.enqueue_dma source(%arg7 : memref<64x144xf32, #tpu.memory_space<vmem>>) target(%dma_start3A_21 : memref<64x144xf32, #tpu.memory_space<hbm>>) target_semaphore(%arg8 : memref<!tpu.dma_semaphore, #tpu.memory_space<semaphore_mem>>)
    %dma_wait3A_22 = arith.constant 0 : i32
    %dma_wait3A_23 = arith.constant 0 : i32
    %dma_wait3A_24 = tpu.memref_slice %arg4[%add3A, %dma_wait3A_22, %dma_wait3A_23] : memref<32x64x144xf32, #tpu.memory_space<hbm>> -> memref<1x64x144xf32, #tpu.memory_space<hbm>>
    %dma_wait3A_25 = tpu.memref_squeeze %dma_wait3A_24 : memref<1x64x144xf32, #tpu.memory_space<hbm>> -> memref<64x144xf32, #tpu.memory_space<hbm>>
    %dma_wait3A_26 = arith.constant 0 : i32
    %dma_wait3A_27 = arith.constant 0 : i32
    %dma_wait3A_28 = tpu.memref_slice %arg4[%add3A, %dma_wait3A_26, %dma_wait3A_27] : memref<32x64x144xf32, #tpu.memory_space<hbm>> -> memref<1x64x144xf32, #tpu.memory_space<hbm>>
    %dma_wait3A_29 = tpu.memref_squeeze %dma_wait3A_28 : memref<1x64x144xf32, #tpu.memory_space<hbm>> -> memref<64x144xf32, #tpu.memory_space<hbm>>
    tpu.wait_dma2 semaphore(%arg8 : memref<!tpu.dma_semaphore, #tpu.memory_space<semaphore_mem>>) src(%arg7 : memref<64x144xf32, #tpu.memory_space<vmem>>) dst(%dma_wait3A_29 : memref<64x144xf32, #tpu.memory_space<hbm>>)
    return
  }
}

module attributes {stable_mosaic.version = 14 : i64} {
  func.func @_loss_kernel(%arg0: i32, %arg1: i32, %arg2: memref<4096x1xi32, #tpu.memory_space<vmem>>, %arg3: memref<4x1x1024xi32, #tpu.memory_space<vmem>>, %arg4: memref<4096x128xbf16, #tpu.memory_space<vmem>>, %arg5: memref<4x128x1024xbf16, #tpu.memory_space<vmem>>, %arg6: memref<32x64x144xf32, #tpu.memory_space<vmem>>, %arg7: memref<1x1xf32, #tpu.memory_space<vmem>>, %arg8: memref<4096x1xf32, #tpu.memory_space<vmem>>, %arg9: memref<4096x1xf32, #tpu.memory_space<vmem>>, %arg10: memref<1024x128xf32, #tpu.memory_space<vmem>>, %arg11: memref<1024x128xf32, #tpu.memory_space<vmem>>) attributes {dimension_semantics = [#tpu.dimension_semantics<arbitrary>, #tpu.dimension_semantics<arbitrary>], iteration_bounds = array<i64: 4, 4>, scalar_prefetch = 0 : i64, scratch_operands = 4 : i64, tpu.core_type = #tpu.core_type<tc>, window_params = [{pipeline_mode = #tpu.pipeline_mode<synchronous>, transform_indices = @transform_0, window_bounds = array<i64: 4096, 1>}, {pipeline_mode = #tpu.pipeline_mode<synchronous>, transform_indices = @transform_1, window_bounds = array<i64: 4, 1, 1024>}, {pipeline_mode = #tpu.pipeline_mode<synchronous>, transform_indices = @transform_2, window_bounds = array<i64: 4096, 128>}, {pipeline_mode = #tpu.pipeline_mode<synchronous>, transform_indices = @transform_3, window_bounds = array<i64: 4, 128, 1024>}, {pipeline_mode = #tpu.pipeline_mode<synchronous>, transform_indices = @transform_4, window_bounds = array<i64: 32, 64, 144>}, {pipeline_mode = #tpu.pipeline_mode<synchronous>, transform_indices = @transform_5, window_bounds = array<i64: 1, 1>}]} {
    %jit3A = arith.constant 1 : i32
    %div3A = arith.divsi %arg0, %jit3A : i32
    %sign3A = arith.constant 0 : i32
    %sign3A_0 = arith.cmpi sgt, %arg0, %sign3A : i32
    %sign3A_1 = arith.extui %sign3A_0 : i1 to i32
    %sign3A_2 = arith.constant 0 : i32
    %sign3A_3 = arith.cmpi slt, %arg0, %sign3A_2 : i32
    %sign3A_4 = arith.extui %sign3A_3 : i1 to i32
    %sign3A_5 = arith.subi %sign3A_1, %sign3A_4 : i32
    %sign3A_6 = arith.constant 0 : i32
    %sign3A_7 = arith.cmpi sgt, %jit3A, %sign3A_6 : i32
    %sign3A_8 = arith.extui %sign3A_7 : i1 to i32
    %sign3A_9 = arith.constant 0 : i32
    %sign3A_10 = arith.cmpi slt, %jit3A, %sign3A_9 : i32
    %sign3A_11 = arith.extui %sign3A_10 : i1 to i32
    %sign3A_12 = arith.subi %sign3A_8, %sign3A_11 : i32
    %ne3A = arith.cmpi ne, %sign3A_5, %sign3A_12 : i32
    %rem3A = arith.remsi %arg0, %jit3A : i32
    %ne3A_13 = arith.constant 0 : i32
    %ne3A_14 = arith.cmpi ne, %rem3A, %ne3A_13 : i32
    %and3A = arith.andi %ne3A, %ne3A_14 : i1
    %sub3A = arith.constant 1 : i32
    %sub3A_15 = arith.subi %div3A, %sub3A : i32
    %select_n3A = arith.select %and3A, %sub3A_15, %div3A : i32
    %ge3A = arith.cmpi sge, %arg1, %select_n3A : i32
    %convert_element_type3A = arith.extui %ge3A : i1 to i32
    %cond3A = arith.constant 0 : i32
    %cond3A_16 = arith.cmpi ne, %convert_element_type3A, %cond3A : i32
    scf.if %cond3A_16 {
      %mul3A = arith.constant 1024 : i32
      %mul3A_29 = arith.muli %arg0, %mul3A : i32
      %get3A = arith.index_cast %mul3A_29 : i32 to index
      %get3A_30 = arith.constant 0 : index
      %get3A_31 = vector.load %arg4[%get3A, %get3A_30] : memref<4096x128xbf16, #tpu.memory_space<vmem>>, vector<1024x128xbf16>
      %mul3A_32 = arith.constant -2.000000e+00 : bf16
      %mul3A_33 = vector.broadcast %mul3A_32 : bf16 to vector<1024x128xbf16>
      %mul3A_34 = arith.mulf %get3A_31, %mul3A_33 : vector<1024x128xbf16>
      %get3A_35 = arith.index_cast %arg1 : i32 to index
      %get3A_36 = arith.constant 0 : index
      %get3A_37 = arith.constant 0 : index
      %get3A_38 = vector.load %arg5[%get3A_35, %get3A_36, %get3A_37] : memref<4x128x1024xbf16, #tpu.memory_space<vmem>>, vector<1x128x1024xbf16>
      %get3A_39 = vector.shape_cast %get3A_38 : vector<1x128x1024xbf16> to vector<128x1024xbf16>
      %dot_general3A = arith.constant dense<0.000000e+00> : vector<1024x1024xf32>
      %dot_general3A_40 = tpu.matmul %mul3A_34, %get3A_39, %dot_general3A {dimension_numbers = #tpu.dot_dimension_numbers<[1], [0], [0], [1], [0, 0, 1, 1], [], []>, transpose_lhs_hint = false} : vector<1024x128xbf16>, vector<128x1024xbf16>, vector<1024x1024xf32> -> vector<1024x1024xf32>
      %convert_element_type3A_41 = arith.extf %get3A_39 : vector<128x1024xbf16> to vector<128x1024xf32>
      %mul3A_42 = arith.mulf %convert_element_type3A_41, %convert_element_type3A_41 : vector<128x1024xf32>
      %reduce_sum3A = arith.constant dense<0.000000e+00> : vector<1024xf32>
      %reduce_sum3A_43 = vector.multi_reduction <add>, %mul3A_42, %reduce_sum3A [0] : vector<128x1024xf32> to vector<1024xf32>
      %broadcast_in_dim3A = vector.shape_cast %reduce_sum3A_43 : vector<1024xf32> to vector<1x1024xf32>
      %mul3A_44 = arith.constant 1024 : i32
      %mul3A_45 = arith.muli %arg0, %mul3A_44 : i32
      %get3A_46 = arith.index_cast %mul3A_45 : i32 to index
      %get3A_47 = arith.constant 0 : index
      %get3A_48 = vector.load %arg2[%get3A_46, %get3A_47] : memref<4096x1xi32, #tpu.memory_space<vmem>>, vector<1024x1xi32>
      %get3A_49 = arith.index_cast %arg1 : i32 to index
      %get3A_50 = arith.constant 0 : index
      %get3A_51 = arith.constant 0 : index
      %get3A_52 = vector.load %arg3[%get3A_49, %get3A_50, %get3A_51] : memref<4x1x1024xi32, #tpu.memory_space<vmem>>, vector<1x1x1024xi32>
      %get3A_53 = vector.shape_cast %get3A_52 : vector<1x1x1024xi32> to vector<1x1024xi32>
      %mul3A_54 = arith.constant 1024 : i32
      %mul3A_55 = arith.muli %arg1, %mul3A_54 : i32
      %iota3A = tpu.iota {dimensions = array<i32: 1>} : vector<1x1024xi32>
      %add3A = vector.broadcast %mul3A_55 : i32 to vector<1x1024xi32>
      %add3A_56 = arith.addi %add3A, %iota3A : vector<1x1024xi32>
      %jit3A_57 = arith.constant 1 : i32
      %div3A_58 = arith.divsi %arg0, %jit3A_57 : i32
      %sign3A_59 = arith.constant 0 : i32
      %sign3A_60 = arith.cmpi sgt, %arg0, %sign3A_59 : i32
      %sign3A_61 = arith.extui %sign3A_60 : i1 to i32
      %sign3A_62 = arith.constant 0 : i32
      %sign3A_63 = arith.cmpi slt, %arg0, %sign3A_62 : i32
      %sign3A_64 = arith.extui %sign3A_63 : i1 to i32
      %sign3A_65 = arith.subi %sign3A_61, %sign3A_64 : i32
      %sign3A_66 = arith.constant 0 : i32
      %sign3A_67 = arith.cmpi sgt, %jit3A_57, %sign3A_66 : i32
      %sign3A_68 = arith.extui %sign3A_67 : i1 to i32
      %sign3A_69 = arith.constant 0 : i32
      %sign3A_70 = arith.cmpi slt, %jit3A_57, %sign3A_69 : i32
      %sign3A_71 = arith.extui %sign3A_70 : i1 to i32
      %sign3A_72 = arith.subi %sign3A_68, %sign3A_71 : i32
      %ne3A_73 = arith.cmpi ne, %sign3A_65, %sign3A_72 : i32
      %rem3A_74 = arith.remsi %arg0, %jit3A_57 : i32
      %ne3A_75 = arith.constant 0 : i32
      %ne3A_76 = arith.cmpi ne, %rem3A_74, %ne3A_75 : i32
      %and3A_77 = arith.andi %ne3A_73, %ne3A_76 : i1
      %sub3A_78 = arith.constant 1 : i32
      %sub3A_79 = arith.subi %div3A_58, %sub3A_78 : i32
      %select_n3A_80 = arith.select %and3A_77, %sub3A_79, %div3A_58 : i32
      %eq3A_81 = arith.cmpi eq, %arg1, %select_n3A_80 : i32
      %mul3A_82 = arith.constant 1024 : i32
      %mul3A_83 = arith.muli %arg0, %mul3A_82 : i32
      %iota3A_84 = tpu.iota {dimensions = array<i32: 0>} : vector<1024x1xi32>
      %add3A_85 = vector.broadcast %mul3A_83 : i32 to vector<1024x1xi32>
      %add3A_86 = arith.addi %add3A_85, %iota3A_84 : vector<1024x1xi32>
      %jit3A_87 = arith.constant -1 : i32
      %broadcast_in_dim3A_88 = vector.broadcast %jit3A_87 : i32 to vector<1024x1xi32>
      %select_n3A_89 = arith.select %eq3A_81, %add3A_86, %broadcast_in_dim3A_88 : vector<1024x1xi32>
      %slice3A = vector.extract_strided_slice %dot_general3A_40 {offsets = [0, 0], sizes = [1024, 128], strides = [1, 1]} : vector<1024x1024xf32> to vector<1024x128xf32>
      %slice3A_90 = vector.extract_strided_slice %broadcast_in_dim3A {offsets = [0, 0], sizes = [1, 128], strides = [1, 1]} : vector<1x1024xf32> to vector<1x128xf32>
      %add3A_91 = vector.broadcast %slice3A_90 : vector<1x128xf32> to vector<1024x128xf32>
      %add3A_92 = arith.addf %slice3A, %add3A_91 : vector<1024x128xf32>
      %slice3A_93 = vector.extract_strided_slice %get3A_53 {offsets = [0, 0], sizes = [1, 128], strides = [1, 1]} : vector<1x1024xi32> to vector<1x128xi32>
      %eq3A_94 = vector.broadcast %get3A_48 : vector<1024x1xi32> to vector<1024x128xi32>
      %eq3A_95 = vector.broadcast %slice3A_93 : vector<1x128xi32> to vector<1024x128xi32>
      %eq3A_96 = arith.cmpi eq, %eq3A_94, %eq3A_95 : vector<1024x128xi32>
      %slice3A_97 = vector.extract_strided_slice %add3A_56 {offsets = [0, 0], sizes = [1, 128], strides = [1, 1]} : vector<1x1024xi32> to vector<1x128xi32>
      %gt3A = vector.broadcast %slice3A_97 : vector<1x128xi32> to vector<1024x128xi32>
      %gt3A_98 = vector.broadcast %select_n3A_89 : vector<1024x1xi32> to vector<1024x128xi32>
      %gt3A_99 = arith.cmpi sgt, %gt3A, %gt3A_98 : vector<1024x128xi32>
      %and3A_100 = arith.andi %eq3A_96, %gt3A_99 : vector<1024x128xi1>
      %jit3A_101 = arith.constant -1.000000e+30 : f32
      %broadcast_in_dim3A_102 = vector.broadcast %jit3A_101 : f32 to vector<1024x128xf32>
      %select_n3A_103 = arith.select %and3A_100, %add3A_92, %broadcast_in_dim3A_102 : vector<1024x128xi1>, vector<1024x128xf32>
      %slice3A_104 = vector.extract_strided_slice %dot_general3A_40 {offsets = [0, 128], sizes = [1024, 128], strides = [1, 1]} : vector<1024x1024xf32> to vector<1024x128xf32>
      %slice3A_105 = vector.extract_strided_slice %broadcast_in_dim3A {offsets = [0, 128], sizes = [1, 128], strides = [1, 1]} : vector<1x1024xf32> to vector<1x128xf32>
      %add3A_106 = vector.broadcast %slice3A_105 : vector<1x128xf32> to vector<1024x128xf32>
      %add3A_107 = arith.addf %slice3A_104, %add3A_106 : vector<1024x128xf32>
      %slice3A_108 = vector.extract_strided_slice %get3A_53 {offsets = [0, 128], sizes = [1, 128], strides = [1, 1]} : vector<1x1024xi32> to vector<1x128xi32>
      %eq3A_109 = vector.broadcast %get3A_48 : vector<1024x1xi32> to vector<1024x128xi32>
      %eq3A_110 = vector.broadcast %slice3A_108 : vector<1x128xi32> to vector<1024x128xi32>
      %eq3A_111 = arith.cmpi eq, %eq3A_109, %eq3A_110 : vector<1024x128xi32>
      %slice3A_112 = vector.extract_strided_slice %add3A_56 {offsets = [0, 128], sizes = [1, 128], strides = [1, 1]} : vector<1x1024xi32> to vector<1x128xi32>
      %gt3A_113 = vector.broadcast %slice3A_112 : vector<1x128xi32> to vector<1024x128xi32>
      %gt3A_114 = vector.broadcast %select_n3A_89 : vector<1024x1xi32> to vector<1024x128xi32>
      %gt3A_115 = arith.cmpi sgt, %gt3A_113, %gt3A_114 : vector<1024x128xi32>
      %and3A_116 = arith.andi %eq3A_111, %gt3A_115 : vector<1024x128xi1>
      %jit3A_117 = arith.constant -1.000000e+30 : f32
      %broadcast_in_dim3A_118 = vector.broadcast %jit3A_117 : f32 to vector<1024x128xf32>
      %select_n3A_119 = arith.select %and3A_116, %add3A_107, %broadcast_in_dim3A_118 : vector<1024x128xi1>, vector<1024x128xf32>
      %max3A = arith.maximumf %select_n3A_103, %select_n3A_119 : vector<1024x128xf32>
      %min3A = arith.minimumf %select_n3A_103, %select_n3A_119 : vector<1024x128xf32>
      %slice3A_120 = vector.extract_strided_slice %dot_general3A_40 {offsets = [0, 256], sizes = [1024, 128], strides = [1, 1]} : vector<1024x1024xf32> to vector<1024x128xf32>
      %slice3A_121 = vector.extract_strided_slice %broadcast_in_dim3A {offsets = [0, 256], sizes = [1, 128], strides = [1, 1]} : vector<1x1024xf32> to vector<1x128xf32>
      %add3A_122 = vector.broadcast %slice3A_121 : vector<1x128xf32> to vector<1024x128xf32>
      %add3A_123 = arith.addf %slice3A_120, %add3A_122 : vector<1024x128xf32>
      %slice3A_124 = vector.extract_strided_slice %get3A_53 {offsets = [0, 256], sizes = [1, 128], strides = [1, 1]} : vector<1x1024xi32> to vector<1x128xi32>
      %eq3A_125 = vector.broadcast %get3A_48 : vector<1024x1xi32> to vector<1024x128xi32>
      %eq3A_126 = vector.broadcast %slice3A_124 : vector<1x128xi32> to vector<1024x128xi32>
      %eq3A_127 = arith.cmpi eq, %eq3A_125, %eq3A_126 : vector<1024x128xi32>
      %slice3A_128 = vector.extract_strided_slice %add3A_56 {offsets = [0, 256], sizes = [1, 128], strides = [1, 1]} : vector<1x1024xi32> to vector<1x128xi32>
      %gt3A_129 = vector.broadcast %slice3A_128 : vector<1x128xi32> to vector<1024x128xi32>
      %gt3A_130 = vector.broadcast %select_n3A_89 : vector<1024x1xi32> to vector<1024x128xi32>
      %gt3A_131 = arith.cmpi sgt, %gt3A_129, %gt3A_130 : vector<1024x128xi32>
      %and3A_132 = arith.andi %eq3A_127, %gt3A_131 : vector<1024x128xi1>
      %jit3A_133 = arith.constant -1.000000e+30 : f32
      %broadcast_in_dim3A_134 = vector.broadcast %jit3A_133 : f32 to vector<1024x128xf32>
      %select_n3A_135 = arith.select %and3A_132, %add3A_123, %broadcast_in_dim3A_134 : vector<1024x128xi1>, vector<1024x128xf32>
      %slice3A_136 = vector.extract_strided_slice %dot_general3A_40 {offsets = [0, 384], sizes = [1024, 128], strides = [1, 1]} : vector<1024x1024xf32> to vector<1024x128xf32>
      %slice3A_137 = vector.extract_strided_slice %broadcast_in_dim3A {offsets = [0, 384], sizes = [1, 128], strides = [1, 1]} : vector<1x1024xf32> to vector<1x128xf32>
      %add3A_138 = vector.broadcast %slice3A_137 : vector<1x128xf32> to vector<1024x128xf32>
      %add3A_139 = arith.addf %slice3A_136, %add3A_138 : vector<1024x128xf32>
      %slice3A_140 = vector.extract_strided_slice %get3A_53 {offsets = [0, 384], sizes = [1, 128], strides = [1, 1]} : vector<1x1024xi32> to vector<1x128xi32>
      %eq3A_141 = vector.broadcast %get3A_48 : vector<1024x1xi32> to vector<1024x128xi32>
      %eq3A_142 = vector.broadcast %slice3A_140 : vector<1x128xi32> to vector<1024x128xi32>
      %eq3A_143 = arith.cmpi eq, %eq3A_141, %eq3A_142 : vector<1024x128xi32>
      %slice3A_144 = vector.extract_strided_slice %add3A_56 {offsets = [0, 384], sizes = [1, 128], strides = [1, 1]} : vector<1x1024xi32> to vector<1x128xi32>
      %gt3A_145 = vector.broadcast %slice3A_144 : vector<1x128xi32> to vector<1024x128xi32>
      %gt3A_146 = vector.broadcast %select_n3A_89 : vector<1024x1xi32> to vector<1024x128xi32>
      %gt3A_147 = arith.cmpi sgt, %gt3A_145, %gt3A_146 : vector<1024x128xi32>
      %and3A_148 = arith.andi %eq3A_143, %gt3A_147 : vector<1024x128xi1>
      %jit3A_149 = arith.constant -1.000000e+30 : f32
      %broadcast_in_dim3A_150 = vector.broadcast %jit3A_149 : f32 to vector<1024x128xf32>
      %select_n3A_151 = arith.select %and3A_148, %add3A_139, %broadcast_in_dim3A_150 : vector<1024x128xi1>, vector<1024x128xf32>
      %max3A_152 = arith.maximumf %select_n3A_135, %select_n3A_151 : vector<1024x128xf32>
      %min3A_153 = arith.minimumf %select_n3A_135, %select_n3A_151 : vector<1024x128xf32>
      %slice3A_154 = vector.extract_strided_slice %dot_general3A_40 {offsets = [0, 512], sizes = [1024, 128], strides = [1, 1]} : vector<1024x1024xf32> to vector<1024x128xf32>
      %slice3A_155 = vector.extract_strided_slice %broadcast_in_dim3A {offsets = [0, 512], sizes = [1, 128], strides = [1, 1]} : vector<1x1024xf32> to vector<1x128xf32>
      %add3A_156 = vector.broadcast %slice3A_155 : vector<1x128xf32> to vector<1024x128xf32>
      %add3A_157 = arith.addf %slice3A_154, %add3A_156 : vector<1024x128xf32>
      %slice3A_158 = vector.extract_strided_slice %get3A_53 {offsets = [0, 512], sizes = [1, 128], strides = [1, 1]} : vector<1x1024xi32> to vector<1x128xi32>
      %eq3A_159 = vector.broadcast %get3A_48 : vector<1024x1xi32> to vector<1024x128xi32>
      %eq3A_160 = vector.broadcast %slice3A_158 : vector<1x128xi32> to vector<1024x128xi32>
      %eq3A_161 = arith.cmpi eq, %eq3A_159, %eq3A_160 : vector<1024x128xi32>
      %slice3A_162 = vector.extract_strided_slice %add3A_56 {offsets = [0, 512], sizes = [1, 128], strides = [1, 1]} : vector<1x1024xi32> to vector<1x128xi32>
      %gt3A_163 = vector.broadcast %slice3A_162 : vector<1x128xi32> to vector<1024x128xi32>
      %gt3A_164 = vector.broadcast %select_n3A_89 : vector<1024x1xi32> to vector<1024x128xi32>
      %gt3A_165 = arith.cmpi sgt, %gt3A_163, %gt3A_164 : vector<1024x128xi32>
      %and3A_166 = arith.andi %eq3A_161, %gt3A_165 : vector<1024x128xi1>
      %jit3A_167 = arith.constant -1.000000e+30 : f32
      %broadcast_in_dim3A_168 = vector.broadcast %jit3A_167 : f32 to vector<1024x128xf32>
      %select_n3A_169 = arith.select %and3A_166, %add3A_157, %broadcast_in_dim3A_168 : vector<1024x128xi1>, vector<1024x128xf32>
      %slice3A_170 = vector.extract_strided_slice %dot_general3A_40 {offsets = [0, 640], sizes = [1024, 128], strides = [1, 1]} : vector<1024x1024xf32> to vector<1024x128xf32>
      %slice3A_171 = vector.extract_strided_slice %broadcast_in_dim3A {offsets = [0, 640], sizes = [1, 128], strides = [1, 1]} : vector<1x1024xf32> to vector<1x128xf32>
      %add3A_172 = vector.broadcast %slice3A_171 : vector<1x128xf32> to vector<1024x128xf32>
      %add3A_173 = arith.addf %slice3A_170, %add3A_172 : vector<1024x128xf32>
      %slice3A_174 = vector.extract_strided_slice %get3A_53 {offsets = [0, 640], sizes = [1, 128], strides = [1, 1]} : vector<1x1024xi32> to vector<1x128xi32>
      %eq3A_175 = vector.broadcast %get3A_48 : vector<1024x1xi32> to vector<1024x128xi32>
      %eq3A_176 = vector.broadcast %slice3A_174 : vector<1x128xi32> to vector<1024x128xi32>
      %eq3A_177 = arith.cmpi eq, %eq3A_175, %eq3A_176 : vector<1024x128xi32>
      %slice3A_178 = vector.extract_strided_slice %add3A_56 {offsets = [0, 640], sizes = [1, 128], strides = [1, 1]} : vector<1x1024xi32> to vector<1x128xi32>
      %gt3A_179 = vector.broadcast %slice3A_178 : vector<1x128xi32> to vector<1024x128xi32>
      %gt3A_180 = vector.broadcast %select_n3A_89 : vector<1024x1xi32> to vector<1024x128xi32>
      %gt3A_181 = arith.cmpi sgt, %gt3A_179, %gt3A_180 : vector<1024x128xi32>
      %and3A_182 = arith.andi %eq3A_177, %gt3A_181 : vector<1024x128xi1>
      %jit3A_183 = arith.constant -1.000000e+30 : f32
      %broadcast_in_dim3A_184 = vector.broadcast %jit3A_183 : f32 to vector<1024x128xf32>
      %select_n3A_185 = arith.select %and3A_182, %add3A_173, %broadcast_in_dim3A_184 : vector<1024x128xi1>, vector<1024x128xf32>
      %max3A_186 = arith.maximumf %select_n3A_169, %select_n3A_185 : vector<1024x128xf32>
      %min3A_187 = arith.minimumf %select_n3A_169, %select_n3A_185 : vector<1024x128xf32>
      %slice3A_188 = vector.extract_strided_slice %dot_general3A_40 {offsets = [0, 768], sizes = [1024, 128], strides = [1, 1]} : vector<1024x1024xf32> to vector<1024x128xf32>
      %slice3A_189 = vector.extract_strided_slice %broadcast_in_dim3A {offsets = [0, 768], sizes = [1, 128], strides = [1, 1]} : vector<1x1024xf32> to vector<1x128xf32>
      %add3A_190 = vector.broadcast %slice3A_189 : vector<1x128xf32> to vector<1024x128xf32>
      %add3A_191 = arith.addf %slice3A_188, %add3A_190 : vector<1024x128xf32>
      %slice3A_192 = vector.extract_strided_slice %get3A_53 {offsets = [0, 768], sizes = [1, 128], strides = [1, 1]} : vector<1x1024xi32> to vector<1x128xi32>
      %eq3A_193 = vector.broadcast %get3A_48 : vector<1024x1xi32> to vector<1024x128xi32>
      %eq3A_194 = vector.broadcast %slice3A_192 : vector<1x128xi32> to vector<1024x128xi32>
      %eq3A_195 = arith.cmpi eq, %eq3A_193, %eq3A_194 : vector<1024x128xi32>
      %slice3A_196 = vector.extract_strided_slice %add3A_56 {offsets = [0, 768], sizes = [1, 128], strides = [1, 1]} : vector<1x1024xi32> to vector<1x128xi32>
      %gt3A_197 = vector.broadcast %slice3A_196 : vector<1x128xi32> to vector<1024x128xi32>
      %gt3A_198 = vector.broadcast %select_n3A_89 : vector<1024x1xi32> to vector<1024x128xi32>
      %gt3A_199 = arith.cmpi sgt, %gt3A_197, %gt3A_198 : vector<1024x128xi32>
      %and3A_200 = arith.andi %eq3A_195, %gt3A_199 : vector<1024x128xi1>
      %jit3A_201 = arith.constant -1.000000e+30 : f32
      %broadcast_in_dim3A_202 = vector.broadcast %jit3A_201 : f32 to vector<1024x128xf32>
      %select_n3A_203 = arith.select %and3A_200, %add3A_191, %broadcast_in_dim3A_202 : vector<1024x128xi1>, vector<1024x128xf32>
      %slice3A_204 = vector.extract_strided_slice %dot_general3A_40 {offsets = [0, 896], sizes = [1024, 128], strides = [1, 1]} : vector<1024x1024xf32> to vector<1024x128xf32>
      %slice3A_205 = vector.extract_strided_slice %broadcast_in_dim3A {offsets = [0, 896], sizes = [1, 128], strides = [1, 1]} : vector<1x1024xf32> to vector<1x128xf32>
      %add3A_206 = vector.broadcast %slice3A_205 : vector<1x128xf32> to vector<1024x128xf32>
      %add3A_207 = arith.addf %slice3A_204, %add3A_206 : vector<1024x128xf32>
      %slice3A_208 = vector.extract_strided_slice %get3A_53 {offsets = [0, 896], sizes = [1, 128], strides = [1, 1]} : vector<1x1024xi32> to vector<1x128xi32>
      %eq3A_209 = vector.broadcast %get3A_48 : vector<1024x1xi32> to vector<1024x128xi32>
      %eq3A_210 = vector.broadcast %slice3A_208 : vector<1x128xi32> to vector<1024x128xi32>
      %eq3A_211 = arith.cmpi eq, %eq3A_209, %eq3A_210 : vector<1024x128xi32>
      %slice3A_212 = vector.extract_strided_slice %add3A_56 {offsets = [0, 896], sizes = [1, 128], strides = [1, 1]} : vector<1x1024xi32> to vector<1x128xi32>
      %gt3A_213 = vector.broadcast %slice3A_212 : vector<1x128xi32> to vector<1024x128xi32>
      %gt3A_214 = vector.broadcast %select_n3A_89 : vector<1024x1xi32> to vector<1024x128xi32>
      %gt3A_215 = arith.cmpi sgt, %gt3A_213, %gt3A_214 : vector<1024x128xi32>
      %and3A_216 = arith.andi %eq3A_211, %gt3A_215 : vector<1024x128xi1>
      %jit3A_217 = arith.constant -1.000000e+30 : f32
      %broadcast_in_dim3A_218 = vector.broadcast %jit3A_217 : f32 to vector<1024x128xf32>
      %select_n3A_219 = arith.select %and3A_216, %add3A_207, %broadcast_in_dim3A_218 : vector<1024x128xi1>, vector<1024x128xf32>
      %max3A_220 = arith.maximumf %select_n3A_203, %select_n3A_219 : vector<1024x128xf32>
      %min3A_221 = arith.minimumf %select_n3A_203, %select_n3A_219 : vector<1024x128xf32>
      %max3A_222 = arith.maximumf %max3A, %max3A_152 : vector<1024x128xf32>
      %min3A_223 = arith.minimumf %max3A, %max3A_152 : vector<1024x128xf32>
      %max3A_224 = arith.maximumf %min3A, %min3A_153 : vector<1024x128xf32>
      %max3A_225 = arith.maximumf %min3A_223, %max3A_224 : vector<1024x128xf32>
      %max3A_226 = arith.maximumf %max3A_186, %max3A_220 : vector<1024x128xf32>
      %min3A_227 = arith.minimumf %max3A_186, %max3A_220 : vector<1024x128xf32>
      %max3A_228 = arith.maximumf %min3A_187, %min3A_221 : vector<1024x128xf32>
      %max3A_229 = arith.maximumf %min3A_227, %max3A_228 : vector<1024x128xf32>
      %max3A_230 = arith.maximumf %max3A_222, %max3A_226 : vector<1024x128xf32>
      %min3A_231 = arith.minimumf %max3A_222, %max3A_226 : vector<1024x128xf32>
      %max3A_232 = arith.maximumf %max3A_225, %max3A_229 : vector<1024x128xf32>
      %max3A_233 = arith.maximumf %min3A_231, %max3A_232 : vector<1024x128xf32>
      %jit3A_234 = arith.constant 1 : i32
      %div3A_235 = arith.divsi %arg0, %jit3A_234 : i32
      %sign3A_236 = arith.constant 0 : i32
      %sign3A_237 = arith.cmpi sgt, %arg0, %sign3A_236 : i32
      %sign3A_238 = arith.extui %sign3A_237 : i1 to i32
      %sign3A_239 = arith.constant 0 : i32
      %sign3A_240 = arith.cmpi slt, %arg0, %sign3A_239 : i32
      %sign3A_241 = arith.extui %sign3A_240 : i1 to i32
      %sign3A_242 = arith.subi %sign3A_238, %sign3A_241 : i32
      %sign3A_243 = arith.constant 0 : i32
      %sign3A_244 = arith.cmpi sgt, %jit3A_234, %sign3A_243 : i32
      %sign3A_245 = arith.extui %sign3A_244 : i1 to i32
      %sign3A_246 = arith.constant 0 : i32
      %sign3A_247 = arith.cmpi slt, %jit3A_234, %sign3A_246 : i32
      %sign3A_248 = arith.extui %sign3A_247 : i1 to i32
      %sign3A_249 = arith.subi %sign3A_245, %sign3A_248 : i32
      %ne3A_250 = arith.cmpi ne, %sign3A_242, %sign3A_249 : i32
      %rem3A_251 = arith.remsi %arg0, %jit3A_234 : i32
      %ne3A_252 = arith.constant 0 : i32
      %ne3A_253 = arith.cmpi ne, %rem3A_251, %ne3A_252 : i32
      %and3A_254 = arith.andi %ne3A_250, %ne3A_253 : i1
      %sub3A_255 = arith.constant 1 : i32
      %sub3A_256 = arith.subi %div3A_235, %sub3A_255 : i32
      %select_n3A_257 = arith.select %and3A_254, %sub3A_256, %div3A_235 : i32
      %eq3A_258 = arith.cmpi eq, %arg1, %select_n3A_257 : i32
      %convert_element_type3A_259 = arith.extui %eq3A_258 : i1 to i32
      %cond3A_260 = arith.constant 0 : i32
      %cond3A_261 = arith.cmpi ne, %convert_element_type3A_259, %cond3A_260 : i32
      scf.if %cond3A_261 {
        %swap3A = arith.constant 0 : index
        %swap3A_290 = arith.constant 0 : index
        %swap3A_291 = vector.load %arg10[%swap3A, %swap3A_290] : memref<1024x128xf32, #tpu.memory_space<vmem>>, vector<1024x128xf32>
        tpu.vector_store %arg10[%swap3A, %swap3A_290], %max3A_230 {strides = array<i32>} : memref<1024x128xf32, #tpu.memory_space<vmem>>, vector<1024x128xf32>,
        %swap3A_292 = arith.constant 0 : index
        %swap3A_293 = arith.constant 0 : index
        %swap3A_294 = vector.load %arg11[%swap3A_292, %swap3A_293] : memref<1024x128xf32, #tpu.memory_space<vmem>>, vector<1024x128xf32>
        tpu.vector_store %arg11[%swap3A_292, %swap3A_293], %max3A_233 {strides = array<i32>} : memref<1024x128xf32, #tpu.memory_space<vmem>>, vector<1024x128xf32>,
      } else {
      }
      %jit3A_262 = arith.constant 1 : i32
      %div3A_263 = arith.divsi %arg0, %jit3A_262 : i32
      %sign3A_264 = arith.constant 0 : i32
      %sign3A_265 = arith.cmpi sgt, %arg0, %sign3A_264 : i32
      %sign3A_266 = arith.extui %sign3A_265 : i1 to i32
      %sign3A_267 = arith.constant 0 : i32
      %sign3A_268 = arith.cmpi slt, %arg0, %sign3A_267 : i32
      %sign3A_269 = arith.extui %sign3A_268 : i1 to i32
      %sign3A_270 = arith.subi %sign3A_266, %sign3A_269 : i32
      %sign3A_271 = arith.constant 0 : i32
      %sign3A_272 = arith.cmpi sgt, %jit3A_262, %sign3A_271 : i32
      %sign3A_273 = arith.extui %sign3A_272 : i1 to i32
      %sign3A_274 = arith.constant 0 : i32
      %sign3A_275 = arith.cmpi slt, %jit3A_262, %sign3A_274 : i32
      %sign3A_276 = arith.extui %sign3A_275 : i1 to i32
      %sign3A_277 = arith.subi %sign3A_273, %sign3A_276 : i32
      %ne3A_278 = arith.cmpi ne, %sign3A_270, %sign3A_277 : i32
      %rem3A_279 = arith.remsi %arg0, %jit3A_262 : i32
      %ne3A_280 = arith.constant 0 : i32
      %ne3A_281 = arith.cmpi ne, %rem3A_279, %ne3A_280 : i32
      %and3A_282 = arith.andi %ne3A_278, %ne3A_281 : i1
      %sub3A_283 = arith.constant 1 : i32
      %sub3A_284 = arith.subi %div3A_263, %sub3A_283 : i32
      %select_n3A_285 = arith.select %and3A_282, %sub3A_284, %div3A_263 : i32
      %gt3A_286 = arith.cmpi sgt, %arg1, %select_n3A_285 : i32
      %convert_element_type3A_287 = arith.extui %gt3A_286 : i1 to i32
      %cond3A_288 = arith.constant 0 : i32
      %cond3A_289 = arith.cmpi ne, %convert_element_type3A_287, %cond3A_288 : i32
      scf.if %cond3A_289 {
        %get3A_290 = arith.constant 0 : index
        %get3A_291 = arith.constant 0 : index
        %get3A_292 = vector.load %arg10[%get3A_290, %get3A_291] : memref<1024x128xf32, #tpu.memory_space<vmem>>, vector<1024x128xf32>
        %get3A_293 = arith.constant 0 : index
        %get3A_294 = arith.constant 0 : index
        %get3A_295 = vector.load %arg11[%get3A_293, %get3A_294] : memref<1024x128xf32, #tpu.memory_space<vmem>>, vector<1024x128xf32>
        %max3A_296 = arith.maximumf %get3A_292, %max3A_230 : vector<1024x128xf32>
        %swap3A = arith.constant 0 : index
        %swap3A_297 = arith.constant 0 : index
        %swap3A_298 = vector.load %arg10[%swap3A, %swap3A_297] : memref<1024x128xf32, #tpu.memory_space<vmem>>, vector<1024x128xf32>
        tpu.vector_store %arg10[%swap3A, %swap3A_297], %max3A_296 {strides = array<i32>} : memref<1024x128xf32, #tpu.memory_space<vmem>>, vector<1024x128xf32>,
        %min3A_299 = arith.minimumf %get3A_292, %max3A_230 : vector<1024x128xf32>
        %max3A_300 = arith.maximumf %get3A_295, %max3A_233 : vector<1024x128xf32>
        %max3A_301 = arith.maximumf %min3A_299, %max3A_300 : vector<1024x128xf32>
        %swap3A_302 = arith.constant 0 : index
        %swap3A_303 = arith.constant 0 : index
        %swap3A_304 = vector.load %arg11[%swap3A_302, %swap3A_303] : memref<1024x128xf32, #tpu.memory_space<vmem>>, vector<1024x128xf32>
        tpu.vector_store %arg11[%swap3A_302, %swap3A_303], %max3A_301 {strides = array<i32>} : memref<1024x128xf32, #tpu.memory_space<vmem>>, vector<1024x128xf32>,
      } else {
      }
    } else {
    }
    %eq3A = arith.constant 3 : i32
    %eq3A_17 = arith.cmpi eq, %arg1, %eq3A : i32
    %convert_element_type3A_18 = arith.extui %eq3A_17 : i1 to i32
    %cond3A_19 = arith.constant 0 : i32
    %cond3A_20 = arith.cmpi ne, %convert_element_type3A_18, %cond3A_19 : i32
    scf.if %cond3A_20 {
      %get3A = arith.constant 0 : index
      %get3A_29 = arith.constant 0 : index
      %get3A_30 = vector.load %arg10[%get3A, %get3A_29] : memref<1024x128xf32, #tpu.memory_space<vmem>>, vector<1024x128xf32>
      %reduce_max3A = arith.constant dense<0xFF800000> : vector<1024xf32>
      %reduce_max3A_31 = vector.multi_reduction <maximumf>, %get3A_30, %reduce_max3A [1] : vector<1024x128xf32> to vector<1024xf32>
      %broadcast_in_dim3A = vector.shape_cast %reduce_max3A_31 : vector<1024xf32> to vector<1024x1xf32>
      %eq3A_32 = vector.broadcast %broadcast_in_dim3A : vector<1024x1xf32> to vector<1024x128xf32>
      %eq3A_33 = arith.cmpf oeq, %get3A_30, %eq3A_32 : vector<1024x128xf32>
      %jit3A_34 = arith.constant 1.000000e+00 : f32
      %jit3A_35 = arith.constant 0.000000e+00 : f32
      %broadcast_in_dim3A_36 = vector.broadcast %jit3A_34 : f32 to vector<1024x128xf32>
      %broadcast_in_dim3A_37 = vector.broadcast %jit3A_35 : f32 to vector<1024x128xf32>
      %select_n3A_38 = arith.select %eq3A_33, %broadcast_in_dim3A_36, %broadcast_in_dim3A_37 : vector<1024x128xi1>, vector<1024x128xf32>
      %reduce_sum3A = arith.constant dense<0.000000e+00> : vector<1024xf32>
      %reduce_sum3A_39 = vector.multi_reduction <add>, %select_n3A_38, %reduce_sum3A [1] : vector<1024x128xf32> to vector<1024xf32>
      %broadcast_in_dim3A_40 = vector.shape_cast %reduce_sum3A_39 : vector<1024xf32> to vector<1024x1xf32>
      %jit3A_41 = arith.constant -1.000000e+30 : f32
      %broadcast_in_dim3A_42 = vector.broadcast %jit3A_41 : f32 to vector<1024x128xf32>
      %select_n3A_43 = arith.select %eq3A_33, %broadcast_in_dim3A_42, %get3A_30 : vector<1024x128xi1>, vector<1024x128xf32>
      %reduce_max3A_44 = arith.constant dense<0xFF800000> : vector<1024xf32>
      %reduce_max3A_45 = vector.multi_reduction <maximumf>, %select_n3A_43, %reduce_max3A_44 [1] : vector<1024x128xf32> to vector<1024xf32>
      %broadcast_in_dim3A_46 = vector.shape_cast %reduce_max3A_45 : vector<1024xf32> to vector<1024x1xf32>
      %gt3A = arith.constant 1.000000e+00 : f32
      %gt3A_47 = vector.broadcast %gt3A : f32 to vector<1024x1xf32>
      %gt3A_48 = arith.cmpf ogt, %broadcast_in_dim3A_40, %gt3A_47 : vector<1024x1xf32>
      %select_n3A_49 = arith.select %gt3A_48, %broadcast_in_dim3A, %broadcast_in_dim3A_46 : vector<1024x1xi1>, vector<1024x1xf32>
      %get3A_50 = arith.constant 0 : index
      %get3A_51 = arith.constant 0 : index
      %get3A_52 = vector.load %arg11[%get3A_50, %get3A_51] : memref<1024x128xf32, #tpu.memory_space<vmem>>, vector<1024x128xf32>
      %reduce_max3A_53 = arith.constant dense<0xFF800000> : vector<1024xf32>
      %reduce_max3A_54 = vector.multi_reduction <maximumf>, %get3A_52, %reduce_max3A_53 [1] : vector<1024x128xf32> to vector<1024xf32>
      %broadcast_in_dim3A_55 = vector.shape_cast %reduce_max3A_54 : vector<1024xf32> to vector<1024x1xf32>
      %mul3A = arith.constant 1024 : i32
      %mul3A_56 = arith.muli %arg0, %mul3A : i32
      %swap3A = arith.index_cast %mul3A_56 : i32 to index
      %swap3A_57 = arith.constant 0 : index
      %swap3A_58 = vector.load %arg8[%swap3A, %swap3A_57] : memref<4096x1xf32, #tpu.memory_space<vmem>>, vector<1024x1xf32>
      tpu.vector_store %arg8[%swap3A, %swap3A_57], %broadcast_in_dim3A {strides = array<i32>} : memref<4096x1xf32, #tpu.memory_space<vmem>>, vector<1024x1xf32>,
      %max3A = arith.maximumf %select_n3A_49, %broadcast_in_dim3A_55 : vector<1024x1xf32>
      %mul3A_59 = arith.constant 1024 : i32
      %mul3A_60 = arith.muli %arg0, %mul3A_59 : i32
      %swap3A_61 = arith.index_cast %mul3A_60 : i32 to index
      %swap3A_62 = arith.constant 0 : index
      %swap3A_63 = vector.load %arg9[%swap3A_61, %swap3A_62] : memref<4096x1xf32, #tpu.memory_space<vmem>>, vector<1024x1xf32>
      tpu.vector_store %arg9[%swap3A_61, %swap3A_62], %max3A {strides = array<i32>} : memref<4096x1xf32, #tpu.memory_space<vmem>>, vector<1024x1xf32>,
    } else {
    }
    %eq3A_21 = arith.constant 3 : i32
    %eq3A_22 = arith.cmpi eq, %arg0, %eq3A_21 : i32
    %eq3A_23 = arith.constant 3 : i32
    %eq3A_24 = arith.cmpi eq, %arg1, %eq3A_23 : i32
    %and3A_25 = arith.andi %eq3A_22, %eq3A_24 : i1
    %convert_element_type3A_26 = arith.extui %and3A_25 : i1 to i32
    %cond3A_27 = arith.constant 0 : i32
    %cond3A_28 = arith.cmpi ne, %convert_element_type3A_26, %cond3A_27 : i32
    scf.if %cond3A_28 {
      %get3A = arith.constant 0 : index
      %get3A_29 = arith.constant 0 : index
      %get3A_30 = vector.load %arg4[%get3A, %get3A_29] : memref<4096x128xbf16, #tpu.memory_space<vmem>>, vector<4096x128xbf16>
      %convert_element_type3A_31 = arith.extf %get3A_30 : vector<4096x128xbf16> to vector<4096x128xf32>
      %mul3A = arith.mulf %convert_element_type3A_31, %convert_element_type3A_31 : vector<4096x128xf32>
      %reduce_sum3A = arith.constant dense<0.000000e+00> : vector<4096xf32>
      %reduce_sum3A_32 = vector.multi_reduction <add>, %mul3A, %reduce_sum3A [1] : vector<4096x128xf32> to vector<4096xf32>
      %broadcast_in_dim3A = vector.shape_cast %reduce_sum3A_32 : vector<4096xf32> to vector<4096x1xf32>
      %get3A_33 = arith.constant 0 : index
      %get3A_34 = arith.constant 0 : index
      %get3A_35 = vector.load %arg8[%get3A_33, %get3A_34] : memref<4096x1xf32, #tpu.memory_space<vmem>>, vector<4096x1xf32>
      %add3A = arith.addf %get3A_35, %broadcast_in_dim3A : vector<4096x1xf32>
      %max3A = arith.constant 0.000000e+00 : f32
      %max3A_36 = vector.broadcast %max3A : f32 to vector<4096x1xf32>
      %max3A_37 = arith.maximumf %add3A, %max3A_36 : vector<4096x1xf32>
      %get3A_38 = arith.constant 0 : index
      %get3A_39 = arith.constant 0 : index
      %get3A_40 = vector.load %arg9[%get3A_38, %get3A_39] : memref<4096x1xf32, #tpu.memory_space<vmem>>, vector<4096x1xf32>
      %add3A_41 = arith.addf %get3A_40, %broadcast_in_dim3A : vector<4096x1xf32>
      %max3A_42 = arith.constant 0.000000e+00 : f32
      %max3A_43 = vector.broadcast %max3A_42 : f32 to vector<4096x1xf32>
      %max3A_44 = arith.maximumf %add3A_41, %max3A_43 : vector<4096x1xf32>
      %get3A_45 = arith.constant 0 : index
      %get3A_46 = arith.constant 0 : index
      %get3A_47 = vector.load %arg2[%get3A_45, %get3A_46] : memref<4096x1xi32, #tpu.memory_space<vmem>>, vector<4096x1xi32>
      %iota3A = tpu.iota {dimensions = array<i32: 1>} : vector<4096x64xi32>
      %eq3A_48 = vector.broadcast %get3A_47 : vector<4096x1xi32> to vector<4096x64xi32>
      %eq3A_49 = arith.cmpi eq, %eq3A_48, %iota3A : vector<4096x64xi32>
      %jit3A_50 = arith.constant 1.000000e+00 : f32
      %jit3A_51 = arith.constant 0.000000e+00 : f32
      %broadcast_in_dim3A_52 = vector.broadcast %jit3A_50 : f32 to vector<4096x64xf32>
      %broadcast_in_dim3A_53 = vector.broadcast %jit3A_51 : f32 to vector<4096x64xf32>
      %select_n3A_54 = arith.select %eq3A_49, %broadcast_in_dim3A_52, %broadcast_in_dim3A_53 : vector<4096x64xi1>, vector<4096x64xf32>
      %jit3A_55 = arith.constant -1.000000e+30 : f32
      %broadcast_in_dim3A_56 = vector.shape_cast %max3A_37 : vector<4096x1xf32> to vector<4096x1xf32>
      %broadcast_in_dim3A_57 = vector.broadcast %broadcast_in_dim3A_56 : vector<4096x1xf32> to vector<4096x64xf32>
      %broadcast_in_dim3A_58 = vector.broadcast %jit3A_55 : f32 to vector<4096x64xf32>
      %select_n3A_59 = arith.select %eq3A_49, %broadcast_in_dim3A_57, %broadcast_in_dim3A_58 : vector<4096x64xi1>, vector<4096x64xf32>
      %reduce_max3A = arith.constant dense<0xFF800000> : vector<64xf32>
      %reduce_max3A_60 = vector.multi_reduction <maximumf>, %select_n3A_59, %reduce_max3A [0] : vector<4096x64xf32> to vector<64xf32>
      %broadcast_in_dim3A_61 = vector.shape_cast %reduce_max3A_60 : vector<64xf32> to vector<1x64xf32>
      %eq3A_62 = vector.broadcast %broadcast_in_dim3A_61 : vector<1x64xf32> to vector<4096x64xf32>
      %eq3A_63 = arith.cmpf oeq, %select_n3A_59, %eq3A_62 : vector<4096x64xf32>
      %jit3A_64 = arith.constant 1.000000e+00 : f32
      %jit3A_65 = arith.constant 0.000000e+00 : f32
      %broadcast_in_dim3A_66 = vector.broadcast %jit3A_64 : f32 to vector<4096x64xf32>
      %broadcast_in_dim3A_67 = vector.broadcast %jit3A_65 : f32 to vector<4096x64xf32>
      %select_n3A_68 = arith.select %eq3A_63, %broadcast_in_dim3A_66, %broadcast_in_dim3A_67 : vector<4096x64xi1>, vector<4096x64xf32>
      %reduce_sum3A_69 = arith.constant dense<0.000000e+00> : vector<64xf32>
      %reduce_sum3A_70 = vector.multi_reduction <add>, %select_n3A_68, %reduce_sum3A_69 [0] : vector<4096x64xf32> to vector<64xf32>
      %broadcast_in_dim3A_71 = vector.shape_cast %reduce_sum3A_70 : vector<64xf32> to vector<1x64xf32>
      %jit3A_72 = arith.constant -1.000000e+30 : f32
      %broadcast_in_dim3A_73 = vector.broadcast %jit3A_72 : f32 to vector<4096x64xf32>
      %select_n3A_74 = arith.select %eq3A_63, %broadcast_in_dim3A_73, %select_n3A_59 : vector<4096x64xi1>, vector<4096x64xf32>
      %reduce_max3A_75 = arith.constant dense<0xFF800000> : vector<64xf32>
      %reduce_max3A_76 = vector.multi_reduction <maximumf>, %select_n3A_74, %reduce_max3A_75 [0] : vector<4096x64xf32> to vector<64xf32>
      %broadcast_in_dim3A_77 = vector.shape_cast %reduce_max3A_76 : vector<64xf32> to vector<1x64xf32>
      %gt3A = arith.constant 1.000000e+00 : f32
      %gt3A_78 = vector.broadcast %gt3A : f32 to vector<1x64xf32>
      %gt3A_79 = arith.cmpf ogt, %broadcast_in_dim3A_71, %gt3A_78 : vector<1x64xf32>
      %select_n3A_80 = arith.select %gt3A_79, %broadcast_in_dim3A_61, %broadcast_in_dim3A_77 : vector<1x64xi1>, vector<1x64xf32>
      %jit3A_81 = arith.constant -1.000000e+30 : f32
      %broadcast_in_dim3A_82 = vector.shape_cast %max3A_44 : vector<4096x1xf32> to vector<4096x1xf32>
      %broadcast_in_dim3A_83 = vector.broadcast %broadcast_in_dim3A_82 : vector<4096x1xf32> to vector<4096x64xf32>
      %broadcast_in_dim3A_84 = vector.broadcast %jit3A_81 : f32 to vector<4096x64xf32>
      %select_n3A_85 = arith.select %eq3A_49, %broadcast_in_dim3A_83, %broadcast_in_dim3A_84 : vector<4096x64xi1>, vector<4096x64xf32>
      %reduce_max3A_86 = arith.constant dense<0xFF800000> : vector<64xf32>
      %reduce_max3A_87 = vector.multi_reduction <maximumf>, %select_n3A_85, %reduce_max3A_86 [0] : vector<4096x64xf32> to vector<64xf32>
      %broadcast_in_dim3A_88 = vector.shape_cast %reduce_max3A_87 : vector<64xf32> to vector<1x64xf32>
      %max3A_89 = arith.constant 0.000000e+00 : f32
      %max3A_90 = vector.broadcast %max3A_89 : f32 to vector<1x64xf32>
      %max3A_91 = arith.maximumf %broadcast_in_dim3A_61, %max3A_90 : vector<1x64xf32>
      %max3A_92 = arith.maximumf %select_n3A_80, %broadcast_in_dim3A_88 : vector<1x64xf32>
      %max3A_93 = arith.constant 0.000000e+00 : f32
      %max3A_94 = vector.broadcast %max3A_93 : f32 to vector<1x64xf32>
      %max3A_95 = arith.maximumf %max3A_92, %max3A_94 : vector<1x64xf32>
      %reduce_sum3A_96 = arith.constant dense<0.000000e+00> : vector<64xf32>
      %reduce_sum3A_97 = vector.multi_reduction <add>, %select_n3A_54, %reduce_sum3A_96 [0] : vector<4096x64xf32> to vector<64xf32>
      %broadcast_in_dim3A_98 = vector.shape_cast %reduce_sum3A_97 : vector<64xf32> to vector<1x64xf32>
      %gt3A_99 = arith.constant 0.000000e+00 : f32
      %gt3A_100 = vector.broadcast %gt3A_99 : f32 to vector<1x64xf32>
      %gt3A_101 = arith.cmpf ogt, %broadcast_in_dim3A_98, %gt3A_100 : vector<1x64xf32>
      %sqrt3A = math.sqrt %max3A_91 : vector<1x64xf32>
      %sqrt3A_102 = math.sqrt %max3A_95 : vector<1x64xf32>
      %add3A_103 = arith.addf %sqrt3A, %sqrt3A_102 : vector<1x64xf32>
      %div3A_104 = arith.constant 2.000000e+00 : f32
      %div3A_105 = vector.broadcast %div3A_104 : f32 to vector<1x64xf32>
      %div3A_106 = arith.divf %div3A_105, %add3A_103 : vector<1x64xf32>
      %jit3A_107 = arith.constant 0.000000e+00 : f32
      %broadcast_in_dim3A_108 = vector.broadcast %jit3A_107 : f32 to vector<1x64xf32>
      %select_n3A_109 = arith.select %gt3A_101, %div3A_106, %broadcast_in_dim3A_108 : vector<1x64xi1>, vector<1x64xf32>
      %reduce_sum3A_110 = vector.shape_cast %select_n3A_109 : vector<1x64xf32> to vector<1x1x64xf32>
      %reduce_sum3A_111 = arith.constant dense<0.000000e+00> : vector<1xf32>
      %reduce_sum3A_112 = vector.multi_reduction <add>, %reduce_sum3A_110, %reduce_sum3A_111 [1, 2] : vector<1x1x64xf32> to vector<1xf32>
      %reduce_sum3A_113 = vector.shape_cast %reduce_sum3A_112 : vector<1xf32> to vector<1x1x1xf32>
      %reduce_sum3A_114 = vector.extract %reduce_sum3A_113[0, 0, 0] : f32 from vector<1x1x1xf32>
      %get3A_115 = arith.constant 0 : index
      %get3A_116 = arith.constant 0 : index
      %get3A_117 = arith.constant 0 : index
      %get3A_118 = vector.load %arg6[%get3A_115, %get3A_116, %get3A_117] : memref<32x64x144xf32, #tpu.memory_space<vmem>>, vector<32x64x144xf32>
      %reduce_sum3A_119 = arith.constant dense<0.000000e+00> : vector<64x144xf32>
      %reduce_sum3A_120 = vector.multi_reduction <add>, %get3A_118, %reduce_sum3A_119 [0] : vector<32x64x144xf32> to vector<64x144xf32>
      %slice3A = vector.extract_strided_slice %reduce_sum3A_120 {offsets = [0, 128], sizes = [64, 1], strides = [1, 1]} : vector<64x144xf32> to vector<64x1xf32>
      %slice3A_121 = vector.extract_strided_slice %reduce_sum3A_120 {offsets = [0, 0], sizes = [64, 128], strides = [1, 1]} : vector<64x144xf32> to vector<64x128xf32>
      %div3A_122 = vector.broadcast %slice3A : vector<64x1xf32> to vector<64x128xf32>
      %div3A_123 = arith.divf %slice3A_121, %div3A_122 : vector<64x128xf32>
      %dot_general3A = arith.constant dense<0.000000e+00> : vector<64x64xf32>
      %dot_general3A_124 = tpu.matmul %div3A_123, %div3A_123, %dot_general3A {dimension_numbers = #tpu.dot_dimension_numbers<[1], [1], [0], [0], [0, 0, 1, 0], [], []>, transpose_lhs_hint = false} : vector<64x128xf32>, vector<64x128xf32>, vector<64x64xf32> -> vector<64x64xf32>
      %iota3A_125 = tpu.iota {dimensions = array<i32: 0>} : vector<64x64xi32>
      %iota3A_126 = tpu.iota {dimensions = array<i32: 1>} : vector<64x64xi32>
      %eq3A_127 = arith.cmpi eq, %iota3A_125, %iota3A_126 : vector<64x64xi32>
      %jit3A_128 = arith.constant 0.000000e+00 : f32
      %broadcast_in_dim3A_129 = vector.broadcast %jit3A_128 : f32 to vector<64x64xf32>
      %select_n3A_130 = arith.select %eq3A_127, %dot_general3A_124, %broadcast_in_dim3A_129 : vector<64x64xi1>, vector<64x64xf32>
      %reduce_sum3A_131 = arith.constant dense<0.000000e+00> : vector<64xf32>
      %reduce_sum3A_132 = vector.multi_reduction <add>, %select_n3A_130, %reduce_sum3A_131 [1] : vector<64x64xf32> to vector<64xf32>
      %broadcast_in_dim3A_133 = vector.shape_cast %reduce_sum3A_132 : vector<64xf32> to vector<64x1xf32>
      %jit3A_134 = arith.constant 0.000000e+00 : f32
      %broadcast_in_dim3A_135 = vector.broadcast %jit3A_134 : f32 to vector<64x64xf32>
      %select_n3A_136 = arith.select %eq3A_127, %dot_general3A_124, %broadcast_in_dim3A_135 : vector<64x64xi1>, vector<64x64xf32>
      %reduce_sum3A_137 = arith.constant dense<0.000000e+00> : vector<64xf32>
      %reduce_sum3A_138 = vector.multi_reduction <add>, %select_n3A_136, %reduce_sum3A_137 [0] : vector<64x64xf32> to vector<64xf32>
      %broadcast_in_dim3A_139 = vector.shape_cast %reduce_sum3A_138 : vector<64xf32> to vector<1x64xf32>
      %add3A_140 = vector.broadcast %broadcast_in_dim3A_133 : vector<64x1xf32> to vector<64x64xf32>
      %add3A_141 = vector.broadcast %broadcast_in_dim3A_139 : vector<1x64xf32> to vector<64x64xf32>
      %add3A_142 = arith.addf %add3A_140, %add3A_141 : vector<64x64xf32>
      %mul3A_143 = arith.constant 2.000000e+00 : f32
      %mul3A_144 = vector.broadcast %mul3A_143 : f32 to vector<64x64xf32>
      %mul3A_145 = arith.mulf %mul3A_144, %dot_general3A_124 : vector<64x64xf32>
      %sub3A_146 = arith.subf %add3A_142, %mul3A_145 : vector<64x64xf32>
      %gt3A_147 = arith.constant 0.000000e+00 : f32
      %gt3A_148 = vector.broadcast %gt3A_147 : f32 to vector<64x1xf32>
      %gt3A_149 = arith.cmpf ogt, %slice3A, %gt3A_148 : vector<64x1xf32>
      %gt3A_150 = arith.cmpi sgt, %iota3A_126, %iota3A_125 : vector<64x64xi32>
      %and3A_151 = vector.broadcast %gt3A_149 : vector<64x1xi1> to vector<64x64xi1>
      %and3A_152 = arith.andi %gt3A_150, %and3A_151 : vector<64x64xi1>
      %and3A_153 = vector.broadcast %gt3A_101 : vector<1x64xi1> to vector<64x64xi1>
      %and3A_154 = arith.andi %and3A_152, %and3A_153 : vector<64x64xi1>
      %max3A_155 = arith.constant 0.000000e+00 : f32
      %max3A_156 = vector.broadcast %max3A_155 : f32 to vector<64x64xf32>
      %max3A_157 = arith.maximumf %sub3A_146, %max3A_156 : vector<64x64xf32>
      %sqrt3A_158 = math.sqrt %max3A_157 : vector<64x64xf32>
      %jit3A_159 = arith.constant 0x7F800000 : f32
      %broadcast_in_dim3A_160 = vector.broadcast %jit3A_159 : f32 to vector<64x64xf32>
      %select_n3A_161 = arith.select %and3A_154, %sqrt3A_158, %broadcast_in_dim3A_160 : vector<64x64xi1>, vector<64x64xf32>
      %gt3A_162 = arith.constant 0.000000e+00 : f32
      %gt3A_163 = vector.broadcast %gt3A_162 : f32 to vector<64x64xf32>
      %gt3A_164 = arith.cmpf ogt, %select_n3A_161, %gt3A_163 : vector<64x64xf32>
      %jit3A_165 = arith.constant 0x7F800000 : f32
      %broadcast_in_dim3A_166 = vector.broadcast %jit3A_165 : f32 to vector<64x64xf32>
      %select_n3A_167 = arith.select %gt3A_164, %select_n3A_161, %broadcast_in_dim3A_166 : vector<64x64xi1>, vector<64x64xf32>
      %reduce_min3A = vector.shape_cast %select_n3A_167 : vector<64x64xf32> to vector<1x64x64xf32>
      %reduce_min3A_168 = arith.constant dense<0x7F800000> : vector<1xf32>
      %reduce_min3A_169 = vector.multi_reduction <minimumf>, %reduce_min3A, %reduce_min3A_168 [1, 2] : vector<1x64x64xf32> to vector<1xf32>
      %reduce_min3A_170 = vector.shape_cast %reduce_min3A_169 : vector<1xf32> to vector<1x1x1xf32>
      %reduce_min3A_171 = vector.extract %reduce_min3A_170[0, 0, 0] : f32 from vector<1x1x1xf32>
      %sub3A_172 = arith.constant 1.000000e+01 : f32
      %sub3A_173 = arith.subf %sub3A_172, %reduce_min3A_171 : f32
      %max3A_174 = arith.constant 0.000000e+00 : f32
      %max3A_175 = arith.maximumf %sub3A_173, %max3A_174 : f32
      %add3A_176 = arith.addf %reduce_sum3A_114, %max3A_175 : f32
      %reshape3A = vector.broadcast %add3A_176 : f32 to vector<1x1xf32>
      %swap3A = arith.constant 0 : index
      %swap3A_177 = arith.constant 0 : index
      %swap3A_178 = vector.load %arg7[%swap3A, %swap3A_177] : memref<1x1xf32, #tpu.memory_space<vmem>>, vector<1x1xf32>
      tpu.vector_store %arg7[%swap3A, %swap3A_177], %reshape3A {strides = array<i32>} : memref<1x1xf32, #tpu.memory_space<vmem>>, vector<1x1xf32>,
    } else {
    }
    return
  }
  func.func @transform_0(%arg0: i32, %arg1: i32) -> (i32, i32) {
    %c0_i32 = arith.constant 0 : i32
    %c0_i32_0 = arith.constant 0 : i32
    %c0_i32_1 = arith.constant 0 : i32
    return %c0_i32, %c0_i32_0 : i32, i32
  }
  func.func @transform_1(%arg0: i32, %arg1: i32) -> (i32, i32, i32) {
    %c0_i32 = arith.constant 0 : i32
    %c0_i32_0 = arith.constant 0 : i32
    %c0_i32_1 = arith.constant 0 : i32
    %c0_i32_2 = arith.constant 0 : i32
    return %c0_i32, %c0_i32_0, %c0_i32_1 : i32, i32, i32
  }
  func.func @transform_2(%arg0: i32, %arg1: i32) -> (i32, i32) {
    %c0_i32 = arith.constant 0 : i32
    %c0_i32_0 = arith.constant 0 : i32
    %c0_i32_1 = arith.constant 0 : i32
    return %c0_i32, %c0_i32_0 : i32, i32
  }
  func.func @transform_3(%arg0: i32, %arg1: i32) -> (i32, i32, i32) {
    %c0_i32 = arith.constant 0 : i32
    %c0_i32_0 = arith.constant 0 : i32
    %c0_i32_1 = arith.constant 0 : i32
    %c0_i32_2 = arith.constant 0 : i32
    return %c0_i32, %c0_i32_0, %c0_i32_1 : i32, i32, i32
  }
  func.func @transform_4(%arg0: i32, %arg1: i32) -> (i32, i32, i32) {
    %c0_i32 = arith.constant 0 : i32
    %c0_i32_0 = arith.constant 0 : i32
    %c0_i32_1 = arith.constant 0 : i32
    %c0_i32_2 = arith.constant 0 : i32
    return %c0_i32, %c0_i32_0, %c0_i32_1 : i32, i32, i32
  }
  func.func @transform_5(%arg0: i32, %arg1: i32) -> (i32, i32) {
    %c0_i32 = arith.constant 0 : i32
    %c0_i32_0 = arith.constant 0 : i32
    %c0_i32_1 = arith.constant 0 : i32
    return %c0_i32, %c0_i32_0 : i32, i32
  }
}

</mosaic_0001>

<sc_bundles>
// kernel: kernel.4.cloned.1.call-start
scs
__scs_entry_jumppad:
0x0: {  	(pc) =	sbr.rel $0x88, $3  }
0x1: {  	(tag) =	ssettag $0x0;
	lr =	simm.s32 $0x1  }
0x2: {  	[smem:$0x3F9F] =	sst lr;
	_ =	strace $0xD0000000  }
0x3: {  	_ = 	snop  }
0x4: {  	_ = 	snop  }
0x5: {  	_ = 	snop  }
0x6: {  	_ = 	snop  }
0x7: {  	_ = 	snop  }
__scs_overlays_trampoline_lowered:
0x8: {  	[smem:$0x3FAE] =	sst s0  }
0x9: {  	[smem:$0x3FAF] =	sst s1  }
0xa: {  	[smem:$0x3FB0] =	sst s2  }
0xb: {  	[smem:$0x3FB1] =	sst s3  }
0xc: {  	[smem:$0x3FB2] =	sst s4  }
0xd: {  	[smem:$0x3FB3] =	sst s5  }
0xe: {  	[smem:$0x3FB4] =	sst s6  }
0xf: {  	[smem:$0x3FB5] =	sst s7  }
0x10: {  	[smem:$0x3FB6] =	sst s8  }
0x11: {  	[smem:$0x3FB7] =	sst s9;
	s0 =	simm.s32 @!p0 $0x0  }
0x12: {  	s1 =	sld [smem:$0x3F9D];
	s0 =	simm.s32 @p0 $0x1  }
0x13: {  	[smem:$0x3FB8] =	sst s0;
	s0 =	simm.s32 @!p1 $0x0  }
0x14: {  	s2 =	sld [smem:$0x3F9C];
	s0 =	simm.s32 @p1 $0x1  }
0x15: {  	[smem:$0x3FB9] =	sst s0;
	s0 =	simm.s32 @!p2 $0x0  }
0x16: {  	s3 =	sld [smem:$0x3FDB];
	s0 =	simm.s32 @p2 $0x1  }
0x17: {  	s4 =	simm.s32 $0x1BF5;
	[smem:$0x3FBB] =	sst s0  }
0x18: {  	s0 =	sld [smem:$0x3F9E];
	_ =	swait.ge [sflag:s4], $0x0  }
0x19: {  	s7 =	sld [smem:$0x3F9F]  }
0x1a: {  	s8 =	sadd.s32 $0xFFFFE003, lr  }
0x1b: {  	s9 =	sadd.s32 $0xFFFFFEF7, lr;
	s5 =	simm.s32 $0xFFFFFFFF;
	p2 =	slt.u32 s8, $0xFFFFF086  }
0x1c: {  	p1 =	slt.u32 s9, $0xF7A;
	s5 =	simm.s32 @!p2 $0x0  }
0x1d: {  	s5 =	simm.s32 @p1 $0x1;
	p0 =	seq.s32 s7, s2  }
0x1e: {  	s7 =	smul.u32 @!p0 $0xF7A, s2;
	p2 =	seq.s32 @!p0 s5, $0x0  }
0x1f: {  	s9 =	smul.u32 $0xF7A, s1;
	s8 =	simm.s32 @!p0 $0x1BF5;
	p2 =	por !p2, p0  }
0x20: {  	[sflag:s8] =	ssyncset.s32 @!p0 $0xFFFFF086;
	s6 =	sadd.s32 @!p0 s3, s7;
	s7 =	simm.s32 @!p0 $0x108  }
0x21: {  	s3 =	sadd.s32 s3, s9;
	s6 =	sadd.s32 @!p0 $0x88, s6;
	s7 =	simm.s32 @p2 $0x1082  }
0x22: {  	[simem:s7], [sflag:s8] =	dma.local @!p0 [hbm:s6], $0xF7A  }
0x23: {  	s9 =	sor.u32 $0xD0000000, s2;
	s6 =	simm.s32 $0x108;
	_ =	swait.ge @!p0 [sflag:s8], $0x0  }
0x24: {  	s3 =	sadd.s32 $0x88, s3;
	s6 =	simm.s32 @!p1 $0x1082;
	[sflag:s4] =	ssyncset.s32 $0xFFFFF086  }
0x25: {  	[simem:s6], [sflag:s4] =	dma.local [hbm:s3], $0xF7A  }
0x26: {  	[smem:$0x3F9F] =	sst s1;
	(tag) =	ssettag s2;
	_ =	strace s9  }
0x27: {  	s1 =	sld [smem:$0x3FAF]  }
0x28: {  	s2 =	sld [smem:$0x3FB0]  }
0x29: {  	s4 =	sld [smem:$0x3FB2]  }
0x2a: {  	p0 =	seq.s32 s5, $0x0;
	s5 =	sld [smem:$0x3FB3]  }
0x2b: {  	s6 =	sld [smem:$0x3FB4]  }
0x2c: {  	s7 =	sld [smem:$0x3FB5]  }
0x2d: {  	s3 =	simm.s32 $0x108;
	s8 =	sld [smem:$0x3FB6]  }
0x2e: {  	s3 =	simm.s32 @!p0 $0x1082;
	s9 =	sld [smem:$0x3FB7]  }
0x2f: {  	lr =	sadd.s32 s0, s3;
	s0 =	sld [smem:$0x3FAE]  }
0x30: {  	s3 =	sld [smem:$0x3FB1]  }
0x31: {  	[smem:$0x3FBA] =	sst s10  }
0x32: {  	s10 =	sld [smem:$0x3FB8];
	_ =	sdelay $0x3  }
0x33: {  	p0 =	seq.s32 s10, $0x1;
	s10 =	sld [smem:$0x3FBA];
	_ =	sdelay $0x3  }
0x34: {  	[smem:$0x3FBA] =	sst s10  }
0x35: {  	s10 =	sld [smem:$0x3FB9];
	_ =	sdelay $0x3  }
0x36: {  	p1 =	seq.s32 s10, $0x1;
	s10 =	sld [smem:$0x3FBA];
	_ =	sdelay $0x3  }
0x37: {  	[smem:$0x3FBA] =	sst s10  }
0x38: {  	s10 =	sld [smem:$0x3FBB]  }
0x39: {  	_ = 	snop;
	(pc) =	sbr.ind lr, $3  }
0x3a: {  	_ = 	snop  }
0x3b: {  	_ = 	snop  }
0x3c: {  	p2 =	seq.s32 s10, $0x1;
	s10 =	sld [smem:$0x3FBA]  }
0x3d: {  	_ =	shalt  }
0x3e: {  	_ =	shalt  }
0x3f: {  	_ =	shalt  }
0x40: {  	_ =	shalt  }
0x41: {  	_ =	shalt  }
0x42: {  	_ =	shalt  }
0x43: {  	_ =	shalt  }
0x44: {  	_ =	shalt  }
0x45: {  	_ =	shalt  }
0x46: {  	_ =	shalt  }
0x47: {  	_ =	shalt  }
0x48: {  	_ =	shalt  }
0x49: {  	_ =	shalt  }
0x4a: {  	_ =	shalt  }
0x4b: {  	_ =	shalt  }
0x4c: {  	_ =	shalt  }
0x4d: {  	_ =	shalt  }
0x4e: {  	_ =	shalt  }
0x4f: {  	_ =	shalt  }
0x50: {  	_ =	shalt  }
0x51: {  	_ =	shalt  }
0x52: {  	_ =	shalt  }
0x53: {  	_ =	shalt  }
0x54: {  	_ =	shalt  }
0x55: {  	_ =	shalt  }
0x56: {  	_ =	shalt  }
0x57: {  	_ =	shalt  }
0x58: {  	_ =	shalt  }
0x59: {  	_ =	shalt  }
0x5a: {  	_ =	shalt  }
0x5b: {  	_ =	shalt  }
0x5c: {  	_ =	shalt  }
0x5d: {  	_ =	shalt  }
0x5e: {  	_ =	shalt  }
0x5f: {  	_ =	shalt  }
0x60: {  	_ =	shalt  }
0x61: {  	_ =	shalt  }
0x62: {  	_ =	shalt  }
0x63: {  	_ =	shalt  }
0x64: {  	_ =	shalt  }
0x65: {  	_ =	shalt  }
0x66: {  	_ =	shalt  }
0x67: {  	_ =	shalt  }
0x68: {  	_ =	shalt  }
0x69: {  	_ =	shalt  }
0x6a: {  	_ =	shalt  }
0x6b: {  	_ =	shalt  }
0x6c: {  	_ =	shalt  }
0x6d: {  	_ =	shalt  }
0x6e: {  	_ =	shalt  }
0x6f: {  	_ =	shalt  }
0x70: {  	_ =	shalt  }
0x71: {  	_ =	shalt  }
0x72: {  	_ =	shalt  }
0x73: {  	_ =	shalt  }
0x74: {  	_ =	shalt  }
0x75: {  	_ =	shalt  }
0x76: {  	_ =	shalt  }
0x77: {  	_ =	shalt  }
0x78: {  	_ =	shalt  }
0x79: {  	_ =	shalt  }
0x7a: {  	_ =	shalt  }
0x7b: {  	_ =	shalt  }
0x7c: {  	_ =	shalt  }
0x7d: {  	_ =	shalt  }
0x7e: {  	_ =	shalt  }
0x7f: {  	_ =	shalt  }
0x80: {  	_ =	shalt  }
0x81: {  	_ =	shalt  }
0x82: {  	_ =	shalt  }
0x83: {  	_ =	shalt  }
0x84: {  	_ =	shalt  }
0x85: {  	_ =	shalt  }
0x86: {  	_ =	shalt  }
0x87: {  	_ =	shalt  }
.Lfunc_end0:
.L_simem_size_0:
called_computation_lowered:
.L_overlay_start_0:
0x88: {  	s2 =	sld [smem:$0x3FD9]  }
0x89: {  	s3 =	sld [smem:$0x3FFE];
	_ =	sdelay $0x1  }
0x8a: {  	s1 =	srdreg.scid  }
0x8b: {  	s0 =	sand.u32 $0x1, s1  }
0x8c: {  	s17 =	sshll.u32 s0, $0xA;
	s2 =	sadd.s32 s3, s2  }
0x8d: {  	s2 =	sadd.s32 s2, s17  }
0x8e: {  	[smem:$0x3FC6] =	sst s2  }
0x8f: {  	_ = 	snop  }
0x90: {  	s2 =	sld [smem:$0x3FC9]  }
0x91: {  	s18 =	sld [smem:$0x3FC8];
	(tm) =	ssettm $0x1  }
0x92: {  	s4 =	sld [smem:$0x3FFB];
	_ =	sdelay $0x3  }
0x93: {  	_ =	strace s4  }
0x94: {  	s4 =	sld [smem:$0x3FFC];
	_ =	sdelay $0x3  }
0x95: {  	_ =	strace s4  }
0x96: {  	s4 =	sld [smem:$0x3FFD];
	_ =	sdelay $0x3  }
0x97: {  	_ =	strace s4  }
0x98: {  	_ =	strace $0x8FFFFFFF  }
0x99: {  	s19 =	sld [smem:$0x3FDB];
	_ =	sdelay $0x1  }
0x9a: {  	s5 =	simm.s32 $_scs_section_size  }
0x9b: {  	s6 =	simm.s32 $_size__tile_overlayer_lowered;
	s7 =	simm.s32 $_tile_overlayer_lowered  }
0x9c: {  	s22 =	simm.s32 $0x1BFF;
	s21 =	sshll.u32 s7, $0x1;
	s4 =	sadd.s32 s5, s19  }
0x9d: {  	s8 =	simm.s32 $0x0;
	s20 =	sshll.u32 s6, $0x1;
	s6 =	sadd.s32 s21, s4  }
0x9e: {  	[timem:s8], [sflag:s22] =	dma.local [hbm:s6], s20  }
0x9f: {  	_ =	swait.ge [sflag:s22], s20  }
0xa0: {  	s5 =	ssub.s32 $0x0, s20;
	[sflag:s22] =	ssyncset.done $0x0  }
0xa1: {  	[sflag:s22] =	ssyncadd.s32 s5;
	_ =	sdelay $0x1  }
0xa2: {  	s23 =	simm.s32 $0x1B8B  }
0xa3: {  	_ =	swait.ge [sflag:s23], $0x1  }
0xa4: {  	[sflag:s23] =	ssyncset.done $0x0  }
0xa5: {  	s25 =	simm.s32 $0x1B8E;
	s24 =	sld [smem:$0x3FFE];
	[sflag:s23] =	ssyncadd.s32 $0xFFFFFFFF  }
0xa6: {  	s26 =	simm.s32 $execute0_lowered;
	[smem:$0x3FD2] =	sst s25  }
0xa7: {  	s6 =	sshll.u32 s26, $0x1;
	_ =	strace $0x80000046;
	[dreg:$0x1] =	wrdreg $0xFFFFFFFF  }
0xa8: {  	s28 =	simm.s32 $_size_execute0_lowered;
	s4 =	sadd.s32 s4, s6;
	[dreg:$0x0] =	wrdreg $0x0  }
0xa9: {  	s6 =	sshll.u32 s28, $0x1;
	[dreg:$0x2] =	wrdreg s4  }
0xaa: {  	[dreg:$0x3] =	wrdreg s6  }
0xab: {  	[dreg:$0x4] =	wrdreg $0xC0  }
0xac: {  	_ =	task [dreg:s8], $0x5FFFF  }
0xad: {  	[dreg:$0x1] =	wrdreg $0xFFFFFFFF  }
0xae: {  	[dreg:$0x0] =	wrdreg $0x60  }
0xaf: {  	[dreg:$0x2] =	wrdreg s2  }
0xb0: {  	[dreg:$0x3] =	wrdreg s18  }
0xb1: {  	[dreg:$0x4] =	wrdreg s24  }
0xb2: {  	[dreg:$0x5] =	wrdreg $0x9  }
0xb3: {  	_ =	task.clear_ibuf [dreg:s8], $0x6FFFF;
	_ =	strace $0x90000046  }
0xb4: {  	s29 =	simm.s32 $0x9;
	_ =	strace $0x80000048  }
0xb5: {  	_ =	swait.ge [sflag:s29], $0x1  }
0xb6: {  	[sflag:s29] =	ssyncadd.s32 $0xFFFFFFFF  }
0xb7: {  	_ =	strace $0x90000048  }
0xb8: {  	_ =	sfence  }
0xb9: {  	s30 =	sld [smem:$0x0];
	_ =	sdelay $0x2  }
0xba: {  	s31 =	sshll.u32 s1, $0xD;
	s1 =	sshrl.u32 s1, $0x2  }
0xbb: {  	s3 =	sand.u32 $0x4000, s31;
	s1 =	sadd.s32 s1, s30  }
0xbc: {  	s0 =	sor.u32 s3, s0;
	s1 =	sshll.u32 s1, $0x11  }
0xbd: {  	s0 =	sor.u32 s1, s0  }
0xbe: {  	s0 =	sadd.s32 $0x8F2B, s0  }
0xbf: {  	[sflag:s0] =	ssyncadd.remote.s32 $0x1  }
0xc0: {  	_ =	sfence.sel $0xFFFF  }
0xc1: {  	[dreg:$0x0] =	wrdreg $0xFFFFFFFF;
	(pc) =	sbr.abs _section_cstart, $3  }
0xc2: {  	[dreg:$0x1] =	wrdreg $0xFFFFFFFF  }
0xc3: {  	_ =	task.clear_ibuf [dreg:s8], $0x2FFFF;
	_ =	strace $0x9FFFFFFF  }
0xc4: {  	(tm) =	ssettm $0x7FFFFFFF  }
0xc5: {  	_ =	shalt  }
tec
execute0_lowered:
.L_overlay_start_1:
0x0: {  	(tag) =	ssettag $0x1  }
0x1: {  	s4 =	rddreg [dreg:$0x0]  }
0x2: {  	s3 =	rddreg [dreg:$0x1]  }
0x3: {  	s5 =	rddreg [dreg:$0x2]  }
0x4: {  	s0 =	rddreg [dreg:$0x3];
	s6 =	srdreg.scid  }
0x5: {  	s1 =	stileid.u32;
	s2 =	simm.s32 $0x0;
	s10 =	simm.s32 $0x0  }
0x6: {  	s6 =	sand.u32 $0x1, s6;
	s7 =	sshll.u32 s1, $0x1;
	[smem:$0x7FF] =	sst s2  }
0x7: {  	s7 =	sor.u32 s6, s7;
	_ =	strace $0x80000047;
	s6 =	ssub.s32 $0x2, s6  }
0x8: {  	s8 =	sshll.u32 s7, $0xB;
	s9 =	sshrl.u32 s6, $0x1;
	s7 =	sshll.u32 s7, $0x4  }
0x9: {  	s5 =	sadd.s32 s8, s5;
	s6 =	ssub.s32 s6, s9;
	s3 =	sadd.s32 s3, s7  }
0xa: {  	s4 =	sadd.s32 s4, s8;
	s7 =	simm.s32 $0x1000;
	s8 =	simm.s32 $0x1  }
0xb: {  	v0 =	vimm.f32 $0.0e+00;
	s9 =	simm.s32 $0x1080;
	s5 =	sadd.s32 $0xA00, s5;
	s6 =	smax.u32 s6, $0x1  }
.LBB2_1:
0xc: {  	[tilespmem:s7], [sflag:$0x1] =	stream.linear.gather [hbm4b:s3+s2], $0x80, $0x38;
	[tilespmem:$0x5080] =	vst v63  }
0xd: {  	_ =	swait.ge [sflag:s8], $0x80  }
0xe: {  	s11 =	sand.u32 $0x3800, s2;
	s12 =	sand.u32 $0x380, s2;
	[sflag:s8] =	ssyncset.done $0x0  }
0xf: {  	s11 =	sor.u32 s12, s11;
	[sflag:s8] =	ssyncadd.s32 $0xFFFFFF80  }
0x10: {  	[tilespmem:s11+$0x1480] =	vst v0  }
0x11: {  	[tilespmem:s11+$0x1080] =	vst v0  }
0x12: {  	[tilespmem:s11+$0x1090] =	vst v0  }
0x13: {  	[tilespmem:s11+$0x10A0] =	vst v0  }
0x14: {  	[tilespmem:s11+$0x10B0] =	vst v0  }
0x15: {  	[tilespmem:s11+$0x10C0] =	vst v0  }
0x16: {  	s13 =	simm.s32 $0x100;
	s12 =	simm.s32 $0x80;
	[tilespmem:s11+$0x10D0] =	vst v0  }
0x17: {  	s14 =	sand.u32 $0x3800, s13;
	s13 =	simm.s32 $0x200;
	s15 =	sand.u32 $0x380, s12;
	[tilespmem:s11+$0x10E0] =	vst v0  }
.LBB2_2:
0x18: {  	p0 =	sne.s32 s13, $0x3F00;
	[tilespmem:s11+$0x10F0] =	vst v0;
	s11 =	sor.u32 s15, s14  }
0x19: {  	[tilespmem:s11+$0x1480] =	vst v0  }
0x1a: {  	[tilespmem:s11+$0x1080] =	vst v0  }
0x1b: {  	[tilespmem:s11+$0x1090] =	vst v0  }
.Ltmp0:
0x1c: {  	[tilespmem:s11+$0x10A0] =	vst v0;
	(pc) =	sbr.rel @p0 .LBB2_2-.Ltmp0, $4  }
0x1d: {  	[tilespmem:s11+$0x10B0] =	vst v0  }
0x1e: {  	[tilespmem:s11+$0x10C0] =	vst v0  }
0x1f: {  	s12 =	sadd.s32 $0x80, s12;
	[tilespmem:s11+$0x10D0] =	vst v0  }
0x20: {  	s14 =	sand.u32 $0x3800, s13;
	s13 =	sadd.s32 $0x100, s13;
	s15 =	sand.u32 $0x380, s12;
	[tilespmem:s11+$0x10E0] =	vst v0  }
0x21: {  	s12 =	sor.u32 s15, s14;
	[tilespmem:s11+$0x10F0] =	vst v0  }
0x22: {  	[tilespmem:s12+$0x1480] =	vst v0  }
0x23: {  	[tilespmem:s12+$0x1080] =	vst v0  }
0x24: {  	[tilespmem:s12+$0x1090] =	vst v0  }
0x25: {  	[tilespmem:s12+$0x10A0] =	vst v0  }
0x26: {  	[tilespmem:s12+$0x10B0] =	vst v0  }
0x27: {  	[tilespmem:s12+$0x10C0] =	vst v0  }
0x28: {  	[tilespmem:s12+$0x10D0] =	vst v0  }
0x29: {  	[tilespmem:s12+$0x10E0] =	vst v0  }
0x2a: {  	s11 =	simm.s32 $0x0;
	s13 =	simm.s32 $0x0;
	[tilespmem:s12+$0x10F0] =	vst v0;
	s12 =	simm.s32 $0x1000  }
.LBB2_4:
0x2b: {  	s14 =	sshll.u32 s13, $0x9  }
0x2c: {  	v1 =	vmov s12;
	s14 =	sadd.s32 s14, s4  }
0x2d: {  	[tilespmem:s11], [sflag:$0x1] =	stream.linear.gather [hbm4b:s14+s11], $0x1000, $0x38;
	[tilespmem:$0x5080] =	vst v63  }
0x2e: {  	_ =	swait.ge [sflag:s8], $0x1000  }
0x2f: {  	[sflag:s8] =	ssyncset.done $0x0  }
0x30: {  	s30 =	simm.s32 $0x0;
	[sflag:s8] =	ssyncadd.s32 $0xFFFFF000  }
0x31: {  	v2 =	vld.idx.msk [tilespmem:v1+s30+$0x0 ss:$0x1], $0x1;
	_ =	sdelay $0x4  }
0x32: {  	(v2sf) =	vpush v2, $0x0;
	_ =	sdelay $0xe  }
0x33: {  	s31 =	spop (v2sf)  }
0x34: {  	s15 =	sshll.u32 s31, $0x8;
	s16 =	sshll.u32 s31, $0x7  }
0x35: {  	s14 =	simm.s32 $0x40;
	s15 =	sand.u32 $0xFFFFF800, s15;
	s16 =	sand.u32 $0x380, s16  }
0x36: {  	v2 =	vld [tilespmem:s14+$0xFFFFFFC0];
	s16 =	sor.u32 s16, s15  }
0x37: {  	v3 =	vld [tilespmem:s16+$0x1080];
	_ =	sdelay $0x4  }
0x38: {  	v2 =	vadd.f32 v2, v3;
	_ =	sdelay $0x1  }
0x39: {  	[tilespmem:s16+$0x1080] =	vst v2;
	v2 =	vld [tilespmem:s16+$0x1090]  }
0x3a: {  	v3 =	vld [tilespmem:s14+$0xFFFFFFD0];
	_ =	sdelay $0x4  }
0x3b: {  	v2 =	vadd.f32 v3, v2;
	_ =	sdelay $0x1  }
0x3c: {  	[tilespmem:s16+$0x1090] =	vst v2;
	v2 =	vld [tilespmem:s16+$0x10A0]  }
0x3d: {  	v3 =	vld [tilespmem:s14+$0xFFFFFFE0];
	_ =	sdelay $0x4  }
0x3e: {  	v2 =	vadd.f32 v3, v2;
	_ =	sdelay $0x1  }
0x3f: {  	[tilespmem:s16+$0x10A0] =	vst v2;
	v2 =	vld [tilespmem:s16+$0x10B0]  }
0x40: {  	v3 =	vld [tilespmem:s14+$0xFFFFFFF0];
	_ =	sdelay $0x4  }
0x41: {  	v2 =	vadd.f32 v3, v2;
	_ =	sdelay $0x1  }
0x42: {  	[tilespmem:s16+$0x10B0] =	vst v2;
	v2 =	vld [tilespmem:s16+$0x10C0]  }
0x43: {  	v3 =	vld [tilespmem:s14+$0x0];
	_ =	sdelay $0x4  }
0x44: {  	v2 =	vadd.f32 v3, v2;
	_ =	sdelay $0x1  }
0x45: {  	[tilespmem:s16+$0x10C0] =	vst v2;
	v2 =	vld [tilespmem:s16+$0x10D0]  }
0x46: {  	v3 =	vld [tilespmem:s14+$0x10];
	_ =	sdelay $0x4  }
0x47: {  	v2 =	vadd.f32 v3, v2;
	_ =	sdelay $0x1  }
0x48: {  	[tilespmem:s16+$0x10D0] =	vst v2;
	v2 =	vld [tilespmem:s16+$0x10E0]  }
0x49: {  	v3 =	vld [tilespmem:s14+$0x20];
	_ =	sdelay $0x4  }
0x4a: {  	v2 =	vadd.f32 v3, v2  }
0x4b: {  	v3 =	vld [tilespmem:s16+$0x1480]  }
0x4c: {  	[tilespmem:s16+$0x10E0] =	vst v2;
	v2 =	vld [tilespmem:s16+$0x10F0]  }
0x4d: {  	v4 =	vld [tilespmem:s14+$0x30];
	_ =	sdelay $0x3  }
0x4e: {  	v3 =	vadd.f32 $1.000000000e+00, v3  }
0x4f: {  	v2 =	vadd.f32 v4, v2  }
0x50: {  	[tilespmem:s16+$0x1480] =	vst v3  }
0x51: {  	s17 =	simm.s32 $0x1;
	s15 =	simm.s32 $0x8;
	[tilespmem:s16+$0x10F0] =	vst v2  }
.LBB2_5:
0x52: {  	p0 =	sne.s32 s15, $0x7C;
	v2 =	vld.idx.msk [tilespmem:v1+s17+$0x0 ss:$0x1], $0x1;
	_ =	sdelay $0x5  }
0x53: {  	(v2sf) =	vpush v2, $0x0;
	_ =	sdelay $0xe  }
0x54: {  	s16 =	spop (v2sf)  }
0x55: {  	s17 =	sshll.u32 s16, $0x8;
	s16 =	sshll.u32 s16, $0x7  }
0x56: {  	s14 =	sadd.s32 $0x80, s14;
	s17 =	sand.u32 $0xFFFFF800, s17;
	s16 =	sand.u32 $0x380, s16  }
0x57: {  	s16 =	sor.u32 s16, s17;
	v2 =	vld [tilespmem:s14+$0xFFFFFFC0]  }
0x58: {  	v3 =	vld [tilespmem:s16+$0x1080]  }
0x59: {  	v4 =	vld [tilespmem:s16+$0x1480];
	_ =	sdelay $0x3  }
0x5a: {  	v2 =	vadd.f32 v2, v3  }
0x5b: {  	v3 =	vadd.f32 $1.000000000e+00, v4  }
0x5c: {  	[tilespmem:s16+$0x1080] =	vst v2;
	v2 =	vld [tilespmem:s16+$0x1090]  }
0x5d: {  	v4 =	vld [tilespmem:s14+$0xFFFFFFD0];
	_ =	sdelay $0x4  }
0x5e: {  	v2 =	vadd.f32 v4, v2;
	_ =	sdelay $0x1  }
0x5f: {  	[tilespmem:s16+$0x1090] =	vst v2;
	v2 =	vld [tilespmem:s16+$0x10A0]  }
0x60: {  	v4 =	vld [tilespmem:s14+$0xFFFFFFE0];
	_ =	sdelay $0x4  }
0x61: {  	v2 =	vadd.f32 v4, v2;
	_ =	sdelay $0x1  }
0x62: {  	[tilespmem:s16+$0x10A0] =	vst v2;
	v2 =	vld [tilespmem:s16+$0x10B0]  }
0x63: {  	v4 =	vld [tilespmem:s14+$0xFFFFFFF0];
	_ =	sdelay $0x4  }
0x64: {  	v2 =	vadd.f32 v4, v2;
	_ =	sdelay $0x1  }
0x65: {  	[tilespmem:s16+$0x10B0] =	vst v2;
	v2 =	vld [tilespmem:s16+$0x10C0]  }
0x66: {  	v4 =	vld [tilespmem:s14+$0x0];
	_ =	sdelay $0x4  }
0x67: {  	v2 =	vadd.f32 v4, v2;
	_ =	sdelay $0x1  }
0x68: {  	[tilespmem:s16+$0x10C0] =	vst v2;
	v2 =	vld [tilespmem:s16+$0x10D0]  }
0x69: {  	v4 =	vld [tilespmem:s14+$0x10];
	_ =	sdelay $0x4  }
0x6a: {  	v2 =	vadd.f32 v4, v2;
	_ =	sdelay $0x1  }
0x6b: {  	[tilespmem:s16+$0x10D0] =	vst v2;
	v2 =	vld [tilespmem:s16+$0x10E0]  }
0x6c: {  	v4 =	vld [tilespmem:s14+$0x20];
	_ =	sdelay $0x4  }
0x6d: {  	v2 =	vadd.f32 v4, v2;
	_ =	sdelay $0x1  }
0x6e: {  	[tilespmem:s16+$0x10E0] =	vst v2;
	v2 =	vld [tilespmem:s16+$0x10F0]  }
0x6f: {  	v4 =	vld [tilespmem:s14+$0x30];
	[tilespmem:s16+$0x1480] =	vst v3;
	_ =	sdelay $0x2  }
.Ltmp1:
0x70: {  	(pc) =	sbr.rel @p0 .LBB2_5-.Ltmp1, $3  }
0x71: {  	_ = 	snop  }
0x72: {  	v2 =	vadd.f32 v4, v2;
	_ =	sdelay $0x1  }
0x73: {  	s17 =	sshra.s32 s15, $0x2;
	s15 =	sadd.s32 $0x4, s15;
	[tilespmem:s16+$0x10F0] =	vst v2  }
0x74: {  	_ =	sdelay $0x3  }
0x75: {  	v1 =	vld.idx.msk [tilespmem:v1+s17+$0x0 ss:$0x1], $0x1;
	_ =	sdelay $0x4  }
0x76: {  	(v2sf) =	vpush v1, $0x0;
	_ =	sdelay $0xe  }
0x77: {  	s15 =	spop (v2sf)  }
0x78: {  	s16 =	sshll.u32 s15, $0x8;
	s15 =	sshll.u32 s15, $0x7  }
0x79: {  	s14 =	sadd.s32 $0x80, s14;
	s16 =	sand.u32 $0xFFFFF800, s16;
	s15 =	sand.u32 $0x380, s15  }
0x7a: {  	v1 =	vld [tilespmem:s14+$0xFFFFFFC0];
	s15 =	sor.u32 s15, s16  }
0x7b: {  	v2 =	vld [tilespmem:s15+$0x1080];
	_ =	sdelay $0x4  }
0x7c: {  	v1 =	vadd.f32 v1, v2;
	_ =	sdelay $0x1  }
0x7d: {  	[tilespmem:s15+$0x1080] =	vst v1;
	v1 =	vld [tilespmem:s15+$0x1090]  }
0x7e: {  	v2 =	vld [tilespmem:s14+$0xFFFFFFD0];
	_ =	sdelay $0x4  }
0x7f: {  	v1 =	vadd.f32 v2, v1;
	_ =	sdelay $0x1  }
0x80: {  	[tilespmem:s15+$0x1090] =	vst v1;
	v1 =	vld [tilespmem:s15+$0x10A0]  }
0x81: {  	v2 =	vld [tilespmem:s14+$0xFFFFFFE0];
	_ =	sdelay $0x4  }
0x82: {  	v1 =	vadd.f32 v2, v1;
	_ =	sdelay $0x1  }
0x83: {  	[tilespmem:s15+$0x10A0] =	vst v1;
	v1 =	vld [tilespmem:s15+$0x10B0]  }
0x84: {  	v2 =	vld [tilespmem:s14+$0xFFFFFFF0];
	_ =	sdelay $0x4  }
0x85: {  	v1 =	vadd.f32 v2, v1;
	_ =	sdelay $0x1  }
0x86: {  	[tilespmem:s15+$0x10B0] =	vst v1;
	v1 =	vld [tilespmem:s15+$0x10C0]  }
0x87: {  	v2 =	vld [tilespmem:s14+$0x0];
	_ =	sdelay $0x4  }
0x88: {  	v1 =	vadd.f32 v2, v1;
	_ =	sdelay $0x1  }
0x89: {  	[tilespmem:s15+$0x10C0] =	vst v1;
	v1 =	vld [tilespmem:s15+$0x10D0]  }
0x8a: {  	v2 =	vld [tilespmem:s14+$0x10];
	_ =	sdelay $0x4  }
0x8b: {  	v1 =	vadd.f32 v2, v1;
	_ =	sdelay $0x1  }
0x8c: {  	[tilespmem:s15+$0x10D0] =	vst v1;
	v1 =	vld [tilespmem:s15+$0x10E0]  }
0x8d: {  	v2 =	vld [tilespmem:s14+$0x20];
	_ =	sdelay $0x4  }
0x8e: {  	v1 =	vadd.f32 v2, v1  }
0x8f: {  	v2 =	vld [tilespmem:s15+$0x1480]  }
0x90: {  	[tilespmem:s15+$0x10E0] =	vst v1;
	v1 =	vld [tilespmem:s15+$0x10F0]  }
0x91: {  	v3 =	vld [tilespmem:s14+$0x30]  }
0x92: {  	s13 =	sadd.s32 $0x1, s13  }
0x93: {  	p0 =	sne.s32 s13, $0x4  }
.Ltmp2:
0x94: {  	_ = 	snop;
	(pc) =	sbr.rel @p0 .LBB2_4-.Ltmp2, $4  }
0x95: {  	v2 =	vadd.f32 $1.000000000e+00, v2  }
0x96: {  	v1 =	vadd.f32 v3, v1  }
0x97: {  	[tilespmem:s15+$0x1480] =	vst v2  }
0x98: {  	s12 =	sadd.s32 $0x20, s12;
	[tilespmem:s15+$0x10F0] =	vst v1  }
0x99: {  	s10 =	sadd.s32 $0x1, s10  }
0x9a: {  	p0 =	sne.s32 s10, s6  }
.Ltmp3:
0x9b: {  	_ = 	snop;
	(pc) =	sbr.rel @p0 .LBB2_1-.Ltmp3, $4  }
0x9c: {  	[hbm4b:s5+s2] =	stream.linear.scatter [tilespmem:s9], [sflag:$0x1], $0x4000, $0x38;
	[tilespmem:$0x5080] =	vst v63  }
0x9d: {  	_ =	swait.ge [sflag:s8], $0x4000  }
0x9e: {  	[sflag:s8] =	ssyncset.done $0x0  }
0x9f: {  	[sflag:s8] =	ssyncadd.s32 $0xFFFFC000  }
0xa0: {  	_ =	sfence.sel $0x180000  }
0xa1: {  	[bflag:$0x0] =	sbarrier.arrive $0xFFFF  }
0xa2: {  	p0 =	sne.s32 s1, $0x0;
	_ =	strace $0x90000047  }
0xa3: {  	s0 =	sadd.s32 @!p0 $0x100000, s0;
	[bflag:$0x2] =	sbarrier.arrive $0xFFFF  }
0xa4: {  	[sflag:s0] =	ssyncadd.tile.s32 @!p0 $0x1;
	_ =	shalt  }
.Lfunc_end2:
_tile_overlayer_lowered:
.L_overlay_start_2:
0xa5: {  	(tag) =	ssettag $0x2  }
0xa6: {  	s0 =	rddreg [dreg:$0x0];
	s2 =	stileid.u32  }
0xa7: {  	s1 =	rddreg [dreg:$0x1];
	p0 =	sne.s32 s2, $0x0  }
0xa8: {  	s3 =	rddreg [dreg:$0x2];
	[bflag:$0x3] =	sbarrier.arrive $0xFFFF;
	s2 =	simm.s32 @!p0 $0x1C02  }
0xa9: {  	[timem:s3], [sflag:s2] =	dma.local @!p0 [hbm:s0], s1  }
0xaa: {  	s0 =	simm.s32 @!p0 $0x2  }
0xab: {  	_ =	swait.ge @!p0 [sflag:s0], s1  }
0xac: {  	s1 =	ssub.s32 @!p0 $0x0, s1;
	[sflag:s0] =	ssyncset.done @!p0 $0x0  }
0xad: {  	[sflag:s0] =	ssyncadd.s32 @!p0 s1  }
0xae: {  	[bflag:$0x3] =	sbarrier.arrive $0xFFFF  }
0xaf: {  	_ =	shalt  }

</sc_bundles>
